<compile_context>
chip_gen: v7x
topology: tpu7x:2x2x1
jax: 0.10.2.dev20260603
libtpu: 0.0.44.dev20260713+nightly
codegen_flags: <defaults>
</compile_context>

<pallas_src>
import functools

import jax
import jax.numpy as jnp
import numpy as np
from jax import lax
from jax.experimental import pallas as pl
from jax.experimental.pallas import tpu as pltpu
from jax.experimental.pallas import tpu_sc as plsc

NSUB = 4096
DIM = 256
K = 16
ALPHA = 3.0
BR = 256
NCH = NSUB // 128
_DOT_DIMS = (((1,), (1,)), ((), ()))
_DOT_NN = (((1,), (0,)), ((), ()))


@functools.cache
def _make_sc_gather():
    info = plsc.get_sparse_core_info()
    nc, ns = info.num_cores, info.num_subcores
    nw = nc * ns
    bpw = NSUB // nw

    @functools.partial(
        pl.kernel,
        mesh=plsc.VectorSubcoreMesh(core_axis_name="c", subcore_axis_name="s"),
        out_type=[
            jax.ShapeDtypeStruct((NSUB, DIM), jnp.float32),
            jax.ShapeDtypeStruct((NSUB, DIM), jnp.float32),
        ],
        scratch_types=[
            pltpu.VMEM((bpw,), jnp.int32),
            pltpu.VMEM((bpw, DIM), jnp.float32),
            pltpu.VMEM((bpw, DIM), jnp.float32),
            pltpu.SemaphoreType.DMA,
            pltpu.SemaphoreType.DMA,
        ],
    )
    def sc_gather(emb1_hbm, emb2_hbm, idx_hbm, g1_hbm, g2_hbm,
                  idx_v, rows1_v, rows2_v, sem1, sem2):
        wid = lax.axis_index("s") * nc + lax.axis_index("c")
        base = wid * bpw
        pltpu.sync_copy(idx_hbm.at[pl.ds(base, bpw)], idx_v)
        c1 = pltpu.async_copy(emb1_hbm.at[idx_v], rows1_v, sem1)
        c2 = pltpu.async_copy(emb2_hbm.at[idx_v], rows2_v, sem2)
        c1.wait()
        c2.wait()
        pltpu.sync_copy(rows1_v, g1_hbm.at[pl.ds(base, bpw)])
        pltpu.sync_copy(rows2_v, g2_hbm.at[pl.ds(base, bpw)])

    return sc_gather


def _linear_body(g1_ref, g2_ref, w1_ref, b1_ref, w2_ref, b2_ref,
                 v1_ref, v2_ref):
    v1_ref[...] = jnp.tanh(ALPHA * (
        lax.dot_general(g1_ref[...], w1_ref[...], _DOT_DIMS,
                        preferred_element_type=jnp.float32)
        + b1_ref[...]))
    v2_ref[...] = jnp.tanh(ALPHA * (
        lax.dot_general(g2_ref[...], w2_ref[...], _DOT_DIMS,
                        preferred_element_type=jnp.float32)
        + b2_ref[...]))


def _linear(g1, g2, W1, b1, W2, b2):
    return pl.pallas_call(
        _linear_body,
        out_shape=[
            jax.ShapeDtypeStruct((NSUB, DIM), jnp.float32),
            jax.ShapeDtypeStruct((NSUB, DIM), jnp.float32),
        ],
    )(g1, g2, W1, b1.reshape(1, DIM), W2, b2.reshape(1, DIM))


def _count_gt(y, thr):
    return jnp.sum((y > thr).astype(jnp.float32), axis=1, keepdims=True)


def _main_body(v1_ref, v2_ref, v1l_ref, v2l_ref, noise_ref, t128_ref,
               s32_ref, bml_ref, srep_ref, out_ref):
    a = (lax.dot_general(v1l_ref[...], v2_ref[...], _DOT_DIMS,
                         preferred_element_type=jnp.float32)
         - lax.dot_general(v2l_ref[...], v1_ref[...], _DOT_DIMS,
                           preferred_element_type=jnp.float32))
    adj = jnp.maximum(jnp.tanh(ALPHA * a), 0.0)
    y = adj + noise_ref[...]

    x = y
    ms = [jnp.max(x, axis=1, keepdims=True)]
    for _ in range(K - 1):
        x = jnp.where(x == ms[-1], -1.0, x)
        ms.append(jnp.max(x, axis=1, keepdims=True))
    msmat = jnp.concatenate(ms, axis=1)

    lanes16 = lax.broadcasted_iota(jnp.int32, (BR, K), 1)
    lo = jnp.zeros((BR, 1), jnp.int32)
    hi = jnp.full((BR, 1), K, jnp.int32)
    for _ in range(4):
        mid = (lo + hi) // 2
        cand = jnp.sum(jnp.where(lanes16 == mid, msmat, 0.0),
                       axis=1, keepdims=True)
        ok = _count_gt(y, cand) < K
        lo = jnp.where(ok, mid, lo)
        hi = jnp.where(ok, hi, mid)
    t = jnp.sum(jnp.where(lanes16 == lo, msmat, 0.0), axis=1, keepdims=True)

    gt = y > t
    quota = K - jnp.sum(gt.astype(jnp.float32), axis=1, keepdims=True)
    eq = y == t
    ef = eq.astype(jnp.bfloat16)
    t128 = t128_ref[...]
    parts = [
        lax.dot_general(ef[:, c * 128:(c + 1) * 128], t128, _DOT_NN,
                        preferred_element_type=jnp.float32)
        for c in range(NCH)
    ]
    pfx = jnp.concatenate(parts, axis=1)
    csum = lax.dot_general(ef, s32_ref[...], _DOT_NN,
                           preferred_element_type=jnp.float32)
    offs = lax.dot_general(csum, bml_ref[...], _DOT_NN,
                           preferred_element_type=jnp.float32)
    offsb = lax.dot_general(offs, srep_ref[...], _DOT_NN,
                            preferred_element_type=jnp.float32)
    sel = gt | (eq & (pfx + offsb <= quota))
    out_ref[...] = jnp.where(sel, adj, 0.0)


@functools.cache
def _scan_mats():
    l = np.arange(128)
    t128 = (l[:, None] <= l[None, :]).astype(np.float32)
    i = np.arange(NSUB)
    c = np.arange(NCH)
    s32 = ((i[:, None] // 128) == c[None, :]).astype(np.float32)
    bml = (c[:, None] < c[None, :]).astype(np.float32)
    srep = (c[:, None] == (i[None, :] // 128)).astype(np.float32)
    return (jnp.asarray(t128, dtype=jnp.bfloat16),
            jnp.asarray(s32, dtype=jnp.bfloat16),
            jnp.asarray(bml), jnp.asarray(srep))


def _topk_mask(v1, v2, v1l, v2l, noise_l):
    lr = noise_l.shape[0]
    nblocks = lr // BR
    return pl.pallas_call(
        _main_body,
        grid=(nblocks,),
        in_specs=[
            pl.BlockSpec((NSUB, DIM), lambda i: (0, 0)),
            pl.BlockSpec((NSUB, DIM), lambda i: (0, 0)),
            pl.BlockSpec((BR, DIM), lambda i: (i, 0)),
            pl.BlockSpec((BR, DIM), lambda i: (i, 0)),
            pl.BlockSpec((BR, NSUB), lambda i: (i, 0)),
            pl.BlockSpec((128, 128), lambda i: (0, 0)),
            pl.BlockSpec((NSUB, NCH), lambda i: (0, 0)),
            pl.BlockSpec((NCH, NCH), lambda i: (0, 0)),
            pl.BlockSpec((NCH, NSUB), lambda i: (0, 0)),
        ],
        out_specs=pl.BlockSpec((BR, NSUB), lambda i: (i, 0)),
        out_shape=jax.ShapeDtypeStruct((lr, NSUB), jnp.float32),
        compiler_params=pltpu.CompilerParams(
            dimension_semantics=("arbitrary",),
            vmem_limit_bytes=64 * 1024 * 1024,
        ),
    )(v1, v2, v1l, v2l, noise_l, *_scan_mats())


def kernel(idx, emb1, emb2, W1, b1, W2, b2, noise):
    g1, g2 = _make_sc_gather()(emb1, emb2, idx)
    v1, v2 = _linear(g1, g2, W1, b1, W2, b2)
    return _topk_mask(v1, v2, v1, v2, noise)

# --- scband reference (transcript-rebuilt; emitter-appended) ---
"""Pipeline reference for scband-g-mtgnn-16423954940301 (READ-ONLY COPY).

The authoritative reference and input builder live on the scoring server;
editing this copy changes nothing except your own understanding.
"""

import jax, jax.numpy as jnp
import numpy as np

N = 10000
DIM = 256
K = 16
ALPHA = 3.0
NSUB = 4096


def setup_inputs(seed: int = 0) -> dict:
    key = jax.random.key(seed)
    ks = jax.random.split(key, 8)
    idx = jax.random.randint(ks[0], (NSUB,), 0, N, dtype=jnp.int32)
    emb1 = jax.random.normal(ks[1], (N, DIM), dtype=jnp.float32) * 0.1
    emb2 = jax.random.normal(ks[2], (N, DIM), dtype=jnp.float32) * 0.1
    W1 = jax.random.normal(ks[3], (DIM, DIM), dtype=jnp.float32) * (1.0 / np.sqrt(DIM))
    b1 = jnp.zeros((DIM,), dtype=jnp.float32)
    W2 = jax.random.normal(ks[4], (DIM, DIM), dtype=jnp.float32) * (1.0 / np.sqrt(DIM))
    b2 = jnp.zeros((DIM,), dtype=jnp.float32)
    # torch.rand_like(adj) * 0.01 noise, materialized deterministically
    noise = jax.random.uniform(ks[5], (NSUB, NSUB), dtype=jnp.float32) * 0.01
    return {"idx": idx, "emb1": emb1, "emb2": emb2, "W1": W1, "b1": b1, "W2": W2, "b2": b2, "noise": noise}


def reference(idx, emb1, emb2, W1, b1, W2, b2, noise):
    # embedding lookups (gather)
    nodevec1 = jnp.take(emb1, idx, axis=0)
    nodevec2 = jnp.take(emb2, idx, axis=0)
    # linear layers (torch Linear: x @ W.T + b)
    nodevec1 = jnp.tanh(ALPHA * (nodevec1 @ W1.T + b1))
    nodevec2 = jnp.tanh(ALPHA * (nodevec2 @ W2.T + b2))
    a = nodevec1 @ nodevec2.T - nodevec2 @ nodevec1.T
    adj = jax.nn.relu(jnp.tanh(ALPHA * a))
    # top-k per row on noisy adj; build 0/1 mask via scatter-overwrite
    s1, t1 = jax.lax.top_k(adj + noise, K)
    rows = jnp.arange(NSUB, dtype=jnp.int32)[:, None]
    mask = jnp.zeros((NSUB, NSUB), dtype=adj.dtype).at[rows, t1].set(1.0)
    adj = adj * mask
    return adj

if __name__ == "__main__":
    import jax
    _d = setup_inputs()
    print(jax.jit(kernel)(*tuple(_d.values())))

</pallas_src>

<mosaic_0001>
#map = affine_map<(d0, d1) -> (0, 0)>
#map1 = affine_map<(d0, d1) -> (0)>
module attributes {stable_mosaic.version = 14 : i64} {
  func.func @sc_gather(%arg0: i32, %arg1: i32, %arg2: memref<10000x256xf32, #tpu.memory_space<hbm>>, %arg3: memref<10000x256xf32, #tpu.memory_space<hbm>>, %arg4: memref<4096xi32, #tpu.memory_space<hbm>>, %arg5: memref<4096x256xf32, #tpu.memory_space<hbm>>, %arg6: memref<4096x256xf32, #tpu.memory_space<hbm>>, %arg7: memref<128xi32, #tpu.memory_space<vmem>>, %arg8: memref<128x256xf32, #tpu.memory_space<vmem>>, %arg9: memref<128x256xf32, #tpu.memory_space<vmem>>, %arg10: memref<!tpu.dma_semaphore, #tpu.memory_space<semaphore_mem>>, %arg11: memref<!tpu.dma_semaphore, #tpu.memory_space<semaphore_mem>>) attributes {dimension_semantics = [#tpu.dimension_semantics<core_parallel>, #tpu.dimension_semantics<subcore_parallel>], iteration_bounds = array<i64: 2, 16>, scalar_prefetch = 0 : i64, scratch_operands = 5 : i64, tpu.core_type = #tpu.core_type<sc_vector_subcore>, window_params = [{transform_indices = #map}, {transform_indices = #map}, {transform_indices = #map1}, {transform_indices = #map}, {transform_indices = #map}]} {
    %mul3A = arith.constant 2 : i32
    %mul3A_0 = arith.muli %arg1, %mul3A : i32
    %add3A = arith.addi %mul3A_0, %arg0 : i32
    %mul3A_1 = arith.constant 128 : i32
    %mul3A_2 = arith.muli %add3A, %mul3A_1 : i32
    "tpu.region"() ({
      %run_scoped3A = tpu.sem_alloc : memref<!tpu.dma_semaphore, #tpu.memory_space<semaphore_mem>>
      %dma_start3A_13 = tpu.memref_slice %arg4[%mul3A_2] : memref<4096xi32, #tpu.memory_space<hbm>> -> memref<128xi32, #tpu.memory_space<hbm>>
      %dma_start3A_14 = tpu.memref_slice %arg4[%mul3A_2] : memref<4096xi32, #tpu.memory_space<hbm>> -> memref<128xi32, #tpu.memory_space<hbm>>
      tpu.enqueue_dma source(%dma_start3A_14 : memref<128xi32, #tpu.memory_space<hbm>>) target(%arg7 : memref<128xi32, #tpu.memory_space<vmem>>) target_semaphore(%run_scoped3A : memref<!tpu.dma_semaphore, #tpu.memory_space<semaphore_mem>>)
      %dma_wait3A_15 = tpu.memref_slice %arg4[%mul3A_2] : memref<4096xi32, #tpu.memory_space<hbm>> -> memref<128xi32, #tpu.memory_space<hbm>>
      %dma_wait3A_16 = tpu.memref_slice %arg4[%mul3A_2] : memref<4096xi32, #tpu.memory_space<hbm>> -> memref<128xi32, #tpu.memory_space<hbm>>
      tpu.wait_dma2 semaphore(%run_scoped3A : memref<!tpu.dma_semaphore, #tpu.memory_space<semaphore_mem>>) src(%dma_wait3A_16 : memref<128xi32, #tpu.memory_space<hbm>>) dst(%arg7 : memref<128xi32, #tpu.memory_space<vmem>>)
      tpu.yield
    }) : () -> ()
    %dma_start3A = arith.constant 0 : i32
    %dma_start3A_3 = arith.constant 0 : i32
    %dma_start3A_4 = tpu.memref_slice %arg2[%dma_start3A, %dma_start3A_3] : memref<10000x256xf32, #tpu.memory_space<hbm>> -> memref<10000x256xf32, #tpu.memory_space<hbm>>
    tpu.enqueue_indirect_dma source(%dma_start3A_4 : memref<10000x256xf32, #tpu.memory_space<hbm>>) target(%arg8 : memref<128x256xf32, #tpu.memory_space<vmem>>) offsets(%arg7 : memref<128xi32, #tpu.memory_space<vmem>>) semaphore(%arg10 : memref<!tpu.dma_semaphore, #tpu.memory_space<semaphore_mem>>)
    %dma_start3A_5 = arith.constant 0 : i32
    %dma_start3A_6 = arith.constant 0 : i32
    %dma_start3A_7 = tpu.memref_slice %arg3[%dma_start3A_5, %dma_start3A_6] : memref<10000x256xf32, #tpu.memory_space<hbm>> -> memref<10000x256xf32, #tpu.memory_space<hbm>>
    tpu.enqueue_indirect_dma source(%dma_start3A_7 : memref<10000x256xf32, #tpu.memory_space<hbm>>) target(%arg9 : memref<128x256xf32, #tpu.memory_space<vmem>>) offsets(%arg7 : memref<128xi32, #tpu.memory_space<vmem>>) semaphore(%arg11 : memref<!tpu.dma_semaphore, #tpu.memory_space<semaphore_mem>>)
    %dma_wait3A = arith.constant 0 : i32
    %dma_wait3A_8 = arith.constant 0 : i32
    %dma_wait3A_9 = tpu.memref_slice %arg2[%dma_wait3A, %dma_wait3A_8] : memref<10000x256xf32, #tpu.memory_space<hbm>> -> memref<10000x256xf32, #tpu.memory_space<hbm>>
    tpu.wait_indirect_dma semaphore(%arg10 : memref<!tpu.dma_semaphore, #tpu.memory_space<semaphore_mem>>) src(%dma_wait3A_9 : memref<10000x256xf32, #tpu.memory_space<hbm>>) dst(%arg8 : memref<128x256xf32, #tpu.memory_space<vmem>>)
    %dma_wait3A_10 = arith.constant 0 : i32
    %dma_wait3A_11 = arith.constant 0 : i32
    %dma_wait3A_12 = tpu.memref_slice %arg3[%dma_wait3A_10, %dma_wait3A_11] : memref<10000x256xf32, #tpu.memory_space<hbm>> -> memref<10000x256xf32, #tpu.memory_space<hbm>>
    tpu.wait_indirect_dma semaphore(%arg11 : memref<!tpu.dma_semaphore, #tpu.memory_space<semaphore_mem>>) src(%dma_wait3A_12 : memref<10000x256xf32, #tpu.memory_space<hbm>>) dst(%arg9 : memref<128x256xf32, #tpu.memory_space<vmem>>)
    "tpu.region"() ({
      %run_scoped3A = tpu.sem_alloc : memref<!tpu.dma_semaphore, #tpu.memory_space<semaphore_mem>>
      %dma_start3A_13 = arith.constant 0 : i32
      %dma_start3A_14 = tpu.memref_slice %arg5[%mul3A_2, %dma_start3A_13] : memref<4096x256xf32, #tpu.memory_space<hbm>> -> memref<128x256xf32, #tpu.memory_space<hbm>>
      %dma_start3A_15 = arith.constant 0 : i32
      %dma_start3A_16 = tpu.memref_slice %arg5[%mul3A_2, %dma_start3A_15] : memref<4096x256xf32, #tpu.memory_space<hbm>> -> memref<128x256xf32, #tpu.memory_space<hbm>>
      tpu.enqueue_dma source(%arg8 : memref<128x256xf32, #tpu.memory_space<vmem>>) target(%dma_start3A_16 : memref<128x256xf32, #tpu.memory_space<hbm>>) target_semaphore(%run_scoped3A : memref<!tpu.dma_semaphore, #tpu.memory_space<semaphore_mem>>)
      %dma_wait3A_17 = arith.constant 0 : i32
      %dma_wait3A_18 = tpu.memref_slice %arg5[%mul3A_2, %dma_wait3A_17] : memref<4096x256xf32, #tpu.memory_space<hbm>> -> memref<128x256xf32, #tpu.memory_space<hbm>>
      %dma_wait3A_19 = arith.constant 0 : i32
      %dma_wait3A_20 = tpu.memref_slice %arg5[%mul3A_2, %dma_wait3A_19] : memref<4096x256xf32, #tpu.memory_space<hbm>> -> memref<128x256xf32, #tpu.memory_space<hbm>>
      tpu.wait_dma2 semaphore(%run_scoped3A : memref<!tpu.dma_semaphore, #tpu.memory_space<semaphore_mem>>) src(%arg8 : memref<128x256xf32, #tpu.memory_space<vmem>>) dst(%dma_wait3A_20 : memref<128x256xf32, #tpu.memory_space<hbm>>)
      tpu.yield
    }) : () -> ()
    "tpu.region"() ({
      %run_scoped3A = tpu.sem_alloc : memref<!tpu.dma_semaphore, #tpu.memory_space<semaphore_mem>>
      %dma_start3A_13 = arith.constant 0 : i32
      %dma_start3A_14 = tpu.memref_slice %arg6[%mul3A_2, %dma_start3A_13] : memref<4096x256xf32, #tpu.memory_space<hbm>> -> memref<128x256xf32, #tpu.memory_space<hbm>>
      %dma_start3A_15 = arith.constant 0 : i32
      %dma_start3A_16 = tpu.memref_slice %arg6[%mul3A_2, %dma_start3A_15] : memref<4096x256xf32, #tpu.memory_space<hbm>> -> memref<128x256xf32, #tpu.memory_space<hbm>>
      tpu.enqueue_dma source(%arg9 : memref<128x256xf32, #tpu.memory_space<vmem>>) target(%dma_start3A_16 : memref<128x256xf32, #tpu.memory_space<hbm>>) target_semaphore(%run_scoped3A : memref<!tpu.dma_semaphore, #tpu.memory_space<semaphore_mem>>)
      %dma_wait3A_17 = arith.constant 0 : i32
      %dma_wait3A_18 = tpu.memref_slice %arg6[%mul3A_2, %dma_wait3A_17] : memref<4096x256xf32, #tpu.memory_space<hbm>> -> memref<128x256xf32, #tpu.memory_space<hbm>>
      %dma_wait3A_19 = arith.constant 0 : i32
      %dma_wait3A_20 = tpu.memref_slice %arg6[%mul3A_2, %dma_wait3A_19] : memref<4096x256xf32, #tpu.memory_space<hbm>> -> memref<128x256xf32, #tpu.memory_space<hbm>>
      tpu.wait_dma2 semaphore(%run_scoped3A : memref<!tpu.dma_semaphore, #tpu.memory_space<semaphore_mem>>) src(%arg9 : memref<128x256xf32, #tpu.memory_space<vmem>>) dst(%dma_wait3A_20 : memref<128x256xf32, #tpu.memory_space<hbm>>)
      tpu.yield
    }) : () -> ()
    return
  }
}

module attributes {stable_mosaic.version = 14 : i64} {
  func.func @_linear_body(%arg0: memref<4096x256xf32, #tpu.memory_space<vmem>>, %arg1: memref<4096x256xf32, #tpu.memory_space<vmem>>, %arg2: memref<256x256xf32, #tpu.memory_space<vmem>>, %arg3: memref<1x256xf32, #tpu.memory_space<vmem>>, %arg4: memref<256x256xf32, #tpu.memory_space<vmem>>, %arg5: memref<1x256xf32, #tpu.memory_space<vmem>>, %arg6: memref<4096x256xf32, #tpu.memory_space<vmem>>, %arg7: memref<4096x256xf32, #tpu.memory_space<vmem>>) attributes {dimension_semantics = [], scalar_prefetch = 0 : i64, scratch_operands = 0 : i64, tpu.core_type = #tpu.core_type<tc>} {
    %get3A = arith.constant 0 : index
    %get3A_0 = arith.constant 0 : index
    %get3A_1 = vector.load %arg0[%get3A, %get3A_0] : memref<4096x256xf32, #tpu.memory_space<vmem>>, vector<4096x256xf32>
    %get3A_2 = arith.constant 0 : index
    %get3A_3 = arith.constant 0 : index
    %get3A_4 = vector.load %arg2[%get3A_2, %get3A_3] : memref<256x256xf32, #tpu.memory_space<vmem>>, vector<256x256xf32>
    %dot_general3A = arith.constant dense<0.000000e+00> : vector<4096x256xf32>
    %dot_general3A_5 = tpu.matmul %get3A_1, %get3A_4, %dot_general3A {dimension_numbers = #tpu.dot_dimension_numbers<[1], [1], [0], [0], [0, 0, 1, 0], [], []>, transpose_lhs_hint = false} : vector<4096x256xf32>, vector<256x256xf32>, vector<4096x256xf32> -> vector<4096x256xf32>
    %get3A_6 = arith.constant 0 : index
    %get3A_7 = arith.constant 0 : index
    %get3A_8 = vector.load %arg3[%get3A_6, %get3A_7] : memref<1x256xf32, #tpu.memory_space<vmem>>, vector<1x256xf32>
    %add3A = vector.broadcast %get3A_8 : vector<1x256xf32> to vector<4096x256xf32>
    %add3A_9 = arith.addf %dot_general3A_5, %add3A : vector<4096x256xf32>
    %mul3A = arith.constant 3.000000e+00 : f32
    %mul3A_10 = vector.broadcast %mul3A : f32 to vector<4096x256xf32>
    %mul3A_11 = arith.mulf %mul3A_10, %add3A_9 : vector<4096x256xf32>
    %tanh3A = math.tanh %mul3A_11 : vector<4096x256xf32>
    %swap3A = arith.constant 0 : index
    %swap3A_12 = arith.constant 0 : index
    %swap3A_13 = vector.load %arg6[%swap3A, %swap3A_12] : memref<4096x256xf32, #tpu.memory_space<vmem>>, vector<4096x256xf32>
    tpu.vector_store %arg6[%swap3A, %swap3A_12], %tanh3A {strides = array<i32>} : memref<4096x256xf32, #tpu.memory_space<vmem>>, vector<4096x256xf32>,
    %get3A_14 = arith.constant 0 : index
    %get3A_15 = arith.constant 0 : index
    %get3A_16 = vector.load %arg1[%get3A_14, %get3A_15] : memref<4096x256xf32, #tpu.memory_space<vmem>>, vector<4096x256xf32>
    %get3A_17 = arith.constant 0 : index
    %get3A_18 = arith.constant 0 : index
    %get3A_19 = vector.load %arg4[%get3A_17, %get3A_18] : memref<256x256xf32, #tpu.memory_space<vmem>>, vector<256x256xf32>
    %dot_general3A_20 = arith.constant dense<0.000000e+00> : vector<4096x256xf32>
    %dot_general3A_21 = tpu.matmul %get3A_16, %get3A_19, %dot_general3A_20 {dimension_numbers = #tpu.dot_dimension_numbers<[1], [1], [0], [0], [0, 0, 1, 0], [], []>, transpose_lhs_hint = false} : vector<4096x256xf32>, vector<256x256xf32>, vector<4096x256xf32> -> vector<4096x256xf32>
    %get3A_22 = arith.constant 0 : index
    %get3A_23 = arith.constant 0 : index
    %get3A_24 = vector.load %arg5[%get3A_22, %get3A_23] : memref<1x256xf32, #tpu.memory_space<vmem>>, vector<1x256xf32>
    %add3A_25 = vector.broadcast %get3A_24 : vector<1x256xf32> to vector<4096x256xf32>
    %add3A_26 = arith.addf %dot_general3A_21, %add3A_25 : vector<4096x256xf32>
    %mul3A_27 = arith.constant 3.000000e+00 : f32
    %mul3A_28 = vector.broadcast %mul3A_27 : f32 to vector<4096x256xf32>
    %mul3A_29 = arith.mulf %mul3A_28, %add3A_26 : vector<4096x256xf32>
    %tanh3A_30 = math.tanh %mul3A_29 : vector<4096x256xf32>
    %swap3A_31 = arith.constant 0 : index
    %swap3A_32 = arith.constant 0 : index
    %swap3A_33 = vector.load %arg7[%swap3A_31, %swap3A_32] : memref<4096x256xf32, #tpu.memory_space<vmem>>, vector<4096x256xf32>
    tpu.vector_store %arg7[%swap3A_31, %swap3A_32], %tanh3A_30 {strides = array<i32>} : memref<4096x256xf32, #tpu.memory_space<vmem>>, vector<4096x256xf32>,
    return
  }
}

module attributes {stable_mosaic.version = 14 : i64} {
  func.func @_main_body(%arg0: i32, %arg1: memref<4096x256xf32, #tpu.memory_space<vmem>>, %arg2: memref<4096x256xf32, #tpu.memory_space<vmem>>, %arg3: memref<256x256xf32, #tpu.memory_space<vmem>>, %arg4: memref<256x256xf32, #tpu.memory_space<vmem>>, %arg5: memref<256x4096xf32, #tpu.memory_space<vmem>>, %arg6: memref<128x128xbf16, #tpu.memory_space<vmem>>, %arg7: memref<4096x32xbf16, #tpu.memory_space<vmem>>, %arg8: memref<32x32xf32, #tpu.memory_space<vmem>>, %arg9: memref<32x4096xf32, #tpu.memory_space<vmem>>, %arg10: memref<256x4096xf32, #tpu.memory_space<vmem>>) attributes {dimension_semantics = [#tpu.dimension_semantics<arbitrary>], iteration_bounds = array<i64: 16>, scalar_prefetch = 0 : i64, scratch_operands = 0 : i64, tpu.core_type = #tpu.core_type<tc>, window_params = [{pipeline_mode = #tpu.pipeline_mode<synchronous>, transform_indices = @transform_0, window_bounds = array<i64: 4096, 256>}, {pipeline_mode = #tpu.pipeline_mode<synchronous>, transform_indices = @transform_1, window_bounds = array<i64: 4096, 256>}, {transform_indices = @transform_2, window_bounds = array<i64: 256, 256>}, {transform_indices = @transform_3, window_bounds = array<i64: 256, 256>}, {transform_indices = @transform_4, window_bounds = array<i64: 256, 4096>}, {pipeline_mode = #tpu.pipeline_mode<synchronous>, transform_indices = @transform_5, window_bounds = array<i64: 128, 128>}, {pipeline_mode = #tpu.pipeline_mode<synchronous>, transform_indices = @transform_6, window_bounds = array<i64: 4096, 32>}, {pipeline_mode = #tpu.pipeline_mode<synchronous>, transform_indices = @transform_7, window_bounds = array<i64: 32, 32>}, {pipeline_mode = #tpu.pipeline_mode<synchronous>, transform_indices = @transform_8, window_bounds = array<i64: 32, 4096>}, {transform_indices = @transform_9, window_bounds = array<i64: 256, 4096>}]} {
    %get3A = arith.constant 0 : index
    %get3A_0 = arith.constant 0 : index
    %get3A_1 = vector.load %arg3[%get3A, %get3A_0] : memref<256x256xf32, #tpu.memory_space<vmem>>, vector<256x256xf32>
    %get3A_2 = arith.constant 0 : index
    %get3A_3 = arith.constant 0 : index
    %get3A_4 = vector.load %arg2[%get3A_2, %get3A_3] : memref<4096x256xf32, #tpu.memory_space<vmem>>, vector<4096x256xf32>
    %dot_general3A = arith.constant dense<0.000000e+00> : vector<256x4096xf32>
    %dot_general3A_5 = tpu.matmul %get3A_1, %get3A_4, %dot_general3A {dimension_numbers = #tpu.dot_dimension_numbers<[1], [1], [0], [0], [0, 0, 1, 0], [], []>, transpose_lhs_hint = false} : vector<256x256xf32>, vector<4096x256xf32>, vector<256x4096xf32> -> vector<256x4096xf32>
    %get3A_6 = arith.constant 0 : index
    %get3A_7 = arith.constant 0 : index
    %get3A_8 = vector.load %arg4[%get3A_6, %get3A_7] : memref<256x256xf32, #tpu.memory_space<vmem>>, vector<256x256xf32>
    %get3A_9 = arith.constant 0 : index
    %get3A_10 = arith.constant 0 : index
    %get3A_11 = vector.load %arg1[%get3A_9, %get3A_10] : memref<4096x256xf32, #tpu.memory_space<vmem>>, vector<4096x256xf32>
    %dot_general3A_12 = arith.constant dense<0.000000e+00> : vector<256x4096xf32>
    %dot_general3A_13 = tpu.matmul %get3A_8, %get3A_11, %dot_general3A_12 {dimension_numbers = #tpu.dot_dimension_numbers<[1], [1], [0], [0], [0, 0, 1, 0], [], []>, transpose_lhs_hint = false} : vector<256x256xf32>, vector<4096x256xf32>, vector<256x4096xf32> -> vector<256x4096xf32>
    %sub3A = arith.subf %dot_general3A_5, %dot_general3A_13 : vector<256x4096xf32>
    %mul3A = arith.constant 3.000000e+00 : f32
    %mul3A_14 = vector.broadcast %mul3A : f32 to vector<256x4096xf32>
    %mul3A_15 = arith.mulf %mul3A_14, %sub3A : vector<256x4096xf32>
    %tanh3A = math.tanh %mul3A_15 : vector<256x4096xf32>
    %max3A = arith.constant 0.000000e+00 : f32
    %max3A_16 = vector.broadcast %max3A : f32 to vector<256x4096xf32>
    %max3A_17 = arith.maximumf %tanh3A, %max3A_16 : vector<256x4096xf32>
    %get3A_18 = arith.constant 0 : index
    %get3A_19 = arith.constant 0 : index
    %get3A_20 = vector.load %arg5[%get3A_18, %get3A_19] : memref<256x4096xf32, #tpu.memory_space<vmem>>, vector<256x4096xf32>
    %add3A = arith.addf %max3A_17, %get3A_20 : vector<256x4096xf32>
    %reduce_max3A = arith.constant dense<0xFF800000> : vector<256xf32>
    %reduce_max3A_21 = vector.multi_reduction <maximumf>, %add3A, %reduce_max3A [1] : vector<256x4096xf32> to vector<256xf32>
    %broadcast_in_dim3A = vector.shape_cast %reduce_max3A_21 : vector<256xf32> to vector<256x1xf32>
    %eq3A = vector.broadcast %broadcast_in_dim3A : vector<256x1xf32> to vector<256x4096xf32>
    %eq3A_22 = arith.cmpf oeq, %add3A, %eq3A : vector<256x4096xf32>
    %jit3A = arith.constant -1.000000e+00 : f32
    %broadcast_in_dim3A_23 = vector.broadcast %jit3A : f32 to vector<256x4096xf32>
    %select_n3A = arith.select %eq3A_22, %broadcast_in_dim3A_23, %add3A : vector<256x4096xi1>, vector<256x4096xf32>
    %reduce_max3A_24 = arith.constant dense<0xFF800000> : vector<256xf32>
    %reduce_max3A_25 = vector.multi_reduction <maximumf>, %select_n3A, %reduce_max3A_24 [1] : vector<256x4096xf32> to vector<256xf32>
    %broadcast_in_dim3A_26 = vector.shape_cast %reduce_max3A_25 : vector<256xf32> to vector<256x1xf32>
    %eq3A_27 = vector.broadcast %broadcast_in_dim3A_26 : vector<256x1xf32> to vector<256x4096xf32>
    %eq3A_28 = arith.cmpf oeq, %select_n3A, %eq3A_27 : vector<256x4096xf32>
    %jit3A_29 = arith.constant -1.000000e+00 : f32
    %broadcast_in_dim3A_30 = vector.broadcast %jit3A_29 : f32 to vector<256x4096xf32>
    %select_n3A_31 = arith.select %eq3A_28, %broadcast_in_dim3A_30, %select_n3A : vector<256x4096xi1>, vector<256x4096xf32>
    %reduce_max3A_32 = arith.constant dense<0xFF800000> : vector<256xf32>
    %reduce_max3A_33 = vector.multi_reduction <maximumf>, %select_n3A_31, %reduce_max3A_32 [1] : vector<256x4096xf32> to vector<256xf32>
    %broadcast_in_dim3A_34 = vector.shape_cast %reduce_max3A_33 : vector<256xf32> to vector<256x1xf32>
    %eq3A_35 = vector.broadcast %broadcast_in_dim3A_34 : vector<256x1xf32> to vector<256x4096xf32>
    %eq3A_36 = arith.cmpf oeq, %select_n3A_31, %eq3A_35 : vector<256x4096xf32>
    %jit3A_37 = arith.constant -1.000000e+00 : f32
    %broadcast_in_dim3A_38 = vector.broadcast %jit3A_37 : f32 to vector<256x4096xf32>
    %select_n3A_39 = arith.select %eq3A_36, %broadcast_in_dim3A_38, %select_n3A_31 : vector<256x4096xi1>, vector<256x4096xf32>
    %reduce_max3A_40 = arith.constant dense<0xFF800000> : vector<256xf32>
    %reduce_max3A_41 = vector.multi_reduction <maximumf>, %select_n3A_39, %reduce_max3A_40 [1] : vector<256x4096xf32> to vector<256xf32>
    %broadcast_in_dim3A_42 = vector.shape_cast %reduce_max3A_41 : vector<256xf32> to vector<256x1xf32>
    %eq3A_43 = vector.broadcast %broadcast_in_dim3A_42 : vector<256x1xf32> to vector<256x4096xf32>
    %eq3A_44 = arith.cmpf oeq, %select_n3A_39, %eq3A_43 : vector<256x4096xf32>
    %jit3A_45 = arith.constant -1.000000e+00 : f32
    %broadcast_in_dim3A_46 = vector.broadcast %jit3A_45 : f32 to vector<256x4096xf32>
    %select_n3A_47 = arith.select %eq3A_44, %broadcast_in_dim3A_46, %select_n3A_39 : vector<256x4096xi1>, vector<256x4096xf32>
    %reduce_max3A_48 = arith.constant dense<0xFF800000> : vector<256xf32>
    %reduce_max3A_49 = vector.multi_reduction <maximumf>, %select_n3A_47, %reduce_max3A_48 [1] : vector<256x4096xf32> to vector<256xf32>
    %broadcast_in_dim3A_50 = vector.shape_cast %reduce_max3A_49 : vector<256xf32> to vector<256x1xf32>
    %eq3A_51 = vector.broadcast %broadcast_in_dim3A_50 : vector<256x1xf32> to vector<256x4096xf32>
    %eq3A_52 = arith.cmpf oeq, %select_n3A_47, %eq3A_51 : vector<256x4096xf32>
    %jit3A_53 = arith.constant -1.000000e+00 : f32
    %broadcast_in_dim3A_54 = vector.broadcast %jit3A_53 : f32 to vector<256x4096xf32>
    %select_n3A_55 = arith.select %eq3A_52, %broadcast_in_dim3A_54, %select_n3A_47 : vector<256x4096xi1>, vector<256x4096xf32>
    %reduce_max3A_56 = arith.constant dense<0xFF800000> : vector<256xf32>
    %reduce_max3A_57 = vector.multi_reduction <maximumf>, %select_n3A_55, %reduce_max3A_56 [1] : vector<256x4096xf32> to vector<256xf32>
    %broadcast_in_dim3A_58 = vector.shape_cast %reduce_max3A_57 : vector<256xf32> to vector<256x1xf32>
    %eq3A_59 = vector.broadcast %broadcast_in_dim3A_58 : vector<256x1xf32> to vector<256x4096xf32>
    %eq3A_60 = arith.cmpf oeq, %select_n3A_55, %eq3A_59 : vector<256x4096xf32>
    %jit3A_61 = arith.constant -1.000000e+00 : f32
    %broadcast_in_dim3A_62 = vector.broadcast %jit3A_61 : f32 to vector<256x4096xf32>
    %select_n3A_63 = arith.select %eq3A_60, %broadcast_in_dim3A_62, %select_n3A_55 : vector<256x4096xi1>, vector<256x4096xf32>
    %reduce_max3A_64 = arith.constant dense<0xFF800000> : vector<256xf32>
    %reduce_max3A_65 = vector.multi_reduction <maximumf>, %select_n3A_63, %reduce_max3A_64 [1] : vector<256x4096xf32> to vector<256xf32>
    %broadcast_in_dim3A_66 = vector.shape_cast %reduce_max3A_65 : vector<256xf32> to vector<256x1xf32>
    %eq3A_67 = vector.broadcast %broadcast_in_dim3A_66 : vector<256x1xf32> to vector<256x4096xf32>
    %eq3A_68 = arith.cmpf oeq, %select_n3A_63, %eq3A_67 : vector<256x4096xf32>
    %jit3A_69 = arith.constant -1.000000e+00 : f32
    %broadcast_in_dim3A_70 = vector.broadcast %jit3A_69 : f32 to vector<256x4096xf32>
    %select_n3A_71 = arith.select %eq3A_68, %broadcast_in_dim3A_70, %select_n3A_63 : vector<256x4096xi1>, vector<256x4096xf32>
    %reduce_max3A_72 = arith.constant dense<0xFF800000> : vector<256xf32>
    %reduce_max3A_73 = vector.multi_reduction <maximumf>, %select_n3A_71, %reduce_max3A_72 [1] : vector<256x4096xf32> to vector<256xf32>
    %broadcast_in_dim3A_74 = vector.shape_cast %reduce_max3A_73 : vector<256xf32> to vector<256x1xf32>
    %eq3A_75 = vector.broadcast %broadcast_in_dim3A_74 : vector<256x1xf32> to vector<256x4096xf32>
    %eq3A_76 = arith.cmpf oeq, %select_n3A_71, %eq3A_75 : vector<256x4096xf32>
    %jit3A_77 = arith.constant -1.000000e+00 : f32
    %broadcast_in_dim3A_78 = vector.broadcast %jit3A_77 : f32 to vector<256x4096xf32>
    %select_n3A_79 = arith.select %eq3A_76, %broadcast_in_dim3A_78, %select_n3A_71 : vector<256x4096xi1>, vector<256x4096xf32>
    %reduce_max3A_80 = arith.constant dense<0xFF800000> : vector<256xf32>
    %reduce_max3A_81 = vector.multi_reduction <maximumf>, %select_n3A_79, %reduce_max3A_80 [1] : vector<256x4096xf32> to vector<256xf32>
    %broadcast_in_dim3A_82 = vector.shape_cast %reduce_max3A_81 : vector<256xf32> to vector<256x1xf32>
    %eq3A_83 = vector.broadcast %broadcast_in_dim3A_82 : vector<256x1xf32> to vector<256x4096xf32>
    %eq3A_84 = arith.cmpf oeq, %select_n3A_79, %eq3A_83 : vector<256x4096xf32>
    %jit3A_85 = arith.constant -1.000000e+00 : f32
    %broadcast_in_dim3A_86 = vector.broadcast %jit3A_85 : f32 to vector<256x4096xf32>
    %select_n3A_87 = arith.select %eq3A_84, %broadcast_in_dim3A_86, %select_n3A_79 : vector<256x4096xi1>, vector<256x4096xf32>
    %reduce_max3A_88 = arith.constant dense<0xFF800000> : vector<256xf32>
    %reduce_max3A_89 = vector.multi_reduction <maximumf>, %select_n3A_87, %reduce_max3A_88 [1] : vector<256x4096xf32> to vector<256xf32>
    %broadcast_in_dim3A_90 = vector.shape_cast %reduce_max3A_89 : vector<256xf32> to vector<256x1xf32>
    %eq3A_91 = vector.broadcast %broadcast_in_dim3A_90 : vector<256x1xf32> to vector<256x4096xf32>
    %eq3A_92 = arith.cmpf oeq, %select_n3A_87, %eq3A_91 : vector<256x4096xf32>
    %jit3A_93 = arith.constant -1.000000e+00 : f32
    %broadcast_in_dim3A_94 = vector.broadcast %jit3A_93 : f32 to vector<256x4096xf32>
    %select_n3A_95 = arith.select %eq3A_92, %broadcast_in_dim3A_94, %select_n3A_87 : vector<256x4096xi1>, vector<256x4096xf32>
    %reduce_max3A_96 = arith.constant dense<0xFF800000> : vector<256xf32>
    %reduce_max3A_97 = vector.multi_reduction <maximumf>, %select_n3A_95, %reduce_max3A_96 [1] : vector<256x4096xf32> to vector<256xf32>
    %broadcast_in_dim3A_98 = vector.shape_cast %reduce_max3A_97 : vector<256xf32> to vector<256x1xf32>
    %eq3A_99 = vector.broadcast %broadcast_in_dim3A_98 : vector<256x1xf32> to vector<256x4096xf32>
    %eq3A_100 = arith.cmpf oeq, %select_n3A_95, %eq3A_99 : vector<256x4096xf32>
    %jit3A_101 = arith.constant -1.000000e+00 : f32
    %broadcast_in_dim3A_102 = vector.broadcast %jit3A_101 : f32 to vector<256x4096xf32>
    %select_n3A_103 = arith.select %eq3A_100, %broadcast_in_dim3A_102, %select_n3A_95 : vector<256x4096xi1>, vector<256x4096xf32>
    %reduce_max3A_104 = arith.constant dense<0xFF800000> : vector<256xf32>
    %reduce_max3A_105 = vector.multi_reduction <maximumf>, %select_n3A_103, %reduce_max3A_104 [1] : vector<256x4096xf32> to vector<256xf32>
    %broadcast_in_dim3A_106 = vector.shape_cast %reduce_max3A_105 : vector<256xf32> to vector<256x1xf32>
    %eq3A_107 = vector.broadcast %broadcast_in_dim3A_106 : vector<256x1xf32> to vector<256x4096xf32>
    %eq3A_108 = arith.cmpf oeq, %select_n3A_103, %eq3A_107 : vector<256x4096xf32>
    %jit3A_109 = arith.constant -1.000000e+00 : f32
    %broadcast_in_dim3A_110 = vector.broadcast %jit3A_109 : f32 to vector<256x4096xf32>
    %select_n3A_111 = arith.select %eq3A_108, %broadcast_in_dim3A_110, %select_n3A_103 : vector<256x4096xi1>, vector<256x4096xf32>
    %reduce_max3A_112 = arith.constant dense<0xFF800000> : vector<256xf32>
    %reduce_max3A_113 = vector.multi_reduction <maximumf>, %select_n3A_111, %reduce_max3A_112 [1] : vector<256x4096xf32> to vector<256xf32>
    %broadcast_in_dim3A_114 = vector.shape_cast %reduce_max3A_113 : vector<256xf32> to vector<256x1xf32>
    %eq3A_115 = vector.broadcast %broadcast_in_dim3A_114 : vector<256x1xf32> to vector<256x4096xf32>
    %eq3A_116 = arith.cmpf oeq, %select_n3A_111, %eq3A_115 : vector<256x4096xf32>
    %jit3A_117 = arith.constant -1.000000e+00 : f32
    %broadcast_in_dim3A_118 = vector.broadcast %jit3A_117 : f32 to vector<256x4096xf32>
    %select_n3A_119 = arith.select %eq3A_116, %broadcast_in_dim3A_118, %select_n3A_111 : vector<256x4096xi1>, vector<256x4096xf32>
    %reduce_max3A_120 = arith.constant dense<0xFF800000> : vector<256xf32>
    %reduce_max3A_121 = vector.multi_reduction <maximumf>, %select_n3A_119, %reduce_max3A_120 [1] : vector<256x4096xf32> to vector<256xf32>
    %broadcast_in_dim3A_122 = vector.shape_cast %reduce_max3A_121 : vector<256xf32> to vector<256x1xf32>
    %eq3A_123 = vector.broadcast %broadcast_in_dim3A_122 : vector<256x1xf32> to vector<256x4096xf32>
    %eq3A_124 = arith.cmpf oeq, %select_n3A_119, %eq3A_123 : vector<256x4096xf32>
    %jit3A_125 = arith.constant -1.000000e+00 : f32
    %broadcast_in_dim3A_126 = vector.broadcast %jit3A_125 : f32 to vector<256x4096xf32>
    %select_n3A_127 = arith.select %eq3A_124, %broadcast_in_dim3A_126, %select_n3A_119 : vector<256x4096xi1>, vector<256x4096xf32>
    %reduce_max3A_128 = arith.constant dense<0xFF800000> : vector<256xf32>
    %reduce_max3A_129 = vector.multi_reduction <maximumf>, %select_n3A_127, %reduce_max3A_128 [1] : vector<256x4096xf32> to vector<256xf32>
    %broadcast_in_dim3A_130 = vector.shape_cast %reduce_max3A_129 : vector<256xf32> to vector<256x1xf32>
    %eq3A_131 = vector.broadcast %broadcast_in_dim3A_130 : vector<256x1xf32> to vector<256x4096xf32>
    %eq3A_132 = arith.cmpf oeq, %select_n3A_127, %eq3A_131 : vector<256x4096xf32>
    %jit3A_133 = arith.constant -1.000000e+00 : f32
    %broadcast_in_dim3A_134 = vector.broadcast %jit3A_133 : f32 to vector<256x4096xf32>
    %select_n3A_135 = arith.select %eq3A_132, %broadcast_in_dim3A_134, %select_n3A_127 : vector<256x4096xi1>, vector<256x4096xf32>
    %reduce_max3A_136 = arith.constant dense<0xFF800000> : vector<256xf32>
    %reduce_max3A_137 = vector.multi_reduction <maximumf>, %select_n3A_135, %reduce_max3A_136 [1] : vector<256x4096xf32> to vector<256xf32>
    %broadcast_in_dim3A_138 = vector.shape_cast %reduce_max3A_137 : vector<256xf32> to vector<256x1xf32>
    %concatenate3A = tpu.concatenate %broadcast_in_dim3A, %broadcast_in_dim3A_26, %broadcast_in_dim3A_34, %broadcast_in_dim3A_42, %broadcast_in_dim3A_50, %broadcast_in_dim3A_58, %broadcast_in_dim3A_66, %broadcast_in_dim3A_74, %broadcast_in_dim3A_82, %broadcast_in_dim3A_90, %broadcast_in_dim3A_98, %broadcast_in_dim3A_106, %broadcast_in_dim3A_114, %broadcast_in_dim3A_122, %broadcast_in_dim3A_130, %broadcast_in_dim3A_138 in 1 : vector<256x1xf32>, vector<256x1xf32>, vector<256x1xf32>, vector<256x1xf32>, vector<256x1xf32>, vector<256x1xf32>, vector<256x1xf32>, vector<256x1xf32>, vector<256x1xf32>, vector<256x1xf32>, vector<256x1xf32>, vector<256x1xf32>, vector<256x1xf32>, vector<256x1xf32>, vector<256x1xf32>, vector<256x1xf32> -> vector<256x16xf32>
    %iota3A = tpu.iota {dimensions = array<i32: 1>} : vector<256x16xi32>
    %broadcast_in_dim3A_139 = arith.constant 0 : i32
    %broadcast_in_dim3A_140 = vector.broadcast %broadcast_in_dim3A_139 : i32 to vector<256x1xi32>
    %broadcast_in_dim3A_141 = arith.constant 16 : i32
    %broadcast_in_dim3A_142 = vector.broadcast %broadcast_in_dim3A_141 : i32 to vector<256x1xi32>
    %add3A_143 = arith.addi %broadcast_in_dim3A_140, %broadcast_in_dim3A_142 : vector<256x1xi32>
    %jit3A_144 = arith.constant 2 : i32
    %div3A = vector.broadcast %jit3A_144 : i32 to vector<256x1xi32>
    %div3A_145 = arith.divsi %add3A_143, %div3A : vector<256x1xi32>
    %sign3A = arith.constant 0 : i32
    %sign3A_146 = vector.broadcast %sign3A : i32 to vector<256x1xi32>
    %sign3A_147 = arith.cmpi sgt, %add3A_143, %sign3A_146 : vector<256x1xi32>
    %sign3A_148 = arith.extui %sign3A_147 : vector<256x1xi1> to vector<256x1xi32>
    %sign3A_149 = arith.constant 0 : i32
    %sign3A_150 = vector.broadcast %sign3A_149 : i32 to vector<256x1xi32>
    %sign3A_151 = arith.cmpi slt, %add3A_143, %sign3A_150 : vector<256x1xi32>
    %sign3A_152 = arith.extui %sign3A_151 : vector<256x1xi1> to vector<256x1xi32>
    %sign3A_153 = arith.subi %sign3A_148, %sign3A_152 : vector<256x1xi32>
    %sign3A_154 = arith.constant 0 : i32
    %sign3A_155 = arith.cmpi sgt, %jit3A_144, %sign3A_154 : i32
    %sign3A_156 = arith.extui %sign3A_155 : i1 to i32
    %sign3A_157 = arith.constant 0 : i32
    %sign3A_158 = arith.cmpi slt, %jit3A_144, %sign3A_157 : i32
    %sign3A_159 = arith.extui %sign3A_158 : i1 to i32
    %sign3A_160 = arith.subi %sign3A_156, %sign3A_159 : i32
    %ne3A = vector.broadcast %sign3A_160 : i32 to vector<256x1xi32>
    %ne3A_161 = arith.cmpi ne, %sign3A_153, %ne3A : vector<256x1xi32>
    %rem3A = vector.broadcast %jit3A_144 : i32 to vector<256x1xi32>
    %rem3A_162 = arith.remsi %add3A_143, %rem3A : vector<256x1xi32>
    %ne3A_163 = arith.constant 0 : i32
    %ne3A_164 = vector.broadcast %ne3A_163 : i32 to vector<256x1xi32>
    %ne3A_165 = arith.cmpi ne, %rem3A_162, %ne3A_164 : vector<256x1xi32>
    %and3A = arith.andi %ne3A_161, %ne3A_165 : vector<256x1xi1>
    %sub3A_166 = arith.constant 1 : i32
    %sub3A_167 = vector.broadcast %sub3A_166 : i32 to vector<256x1xi32>
    %sub3A_168 = arith.subi %div3A_145, %sub3A_167 : vector<256x1xi32>
    %select_n3A_169 = arith.select %and3A, %sub3A_168, %div3A_145 : vector<256x1xi1>, vector<256x1xi32>
    %eq3A_170 = vector.broadcast %select_n3A_169 : vector<256x1xi32> to vector<256x16xi32>
    %eq3A_171 = arith.cmpi eq, %iota3A, %eq3A_170 : vector<256x16xi32>
    %jit3A_172 = arith.constant 0.000000e+00 : f32
    %broadcast_in_dim3A_173 = vector.broadcast %jit3A_172 : f32 to vector<256x16xf32>
    %select_n3A_174 = arith.select %eq3A_171, %concatenate3A, %broadcast_in_dim3A_173 : vector<256x16xi1>, vector<256x16xf32>
    %reduce_sum3A = arith.constant dense<0.000000e+00> : vector<256xf32>
    %reduce_sum3A_175 = vector.multi_reduction <add>, %select_n3A_174, %reduce_sum3A [1] : vector<256x16xf32> to vector<256xf32>
    %broadcast_in_dim3A_176 = vector.shape_cast %reduce_sum3A_175 : vector<256xf32> to vector<256x1xf32>
    %gt3A = vector.broadcast %broadcast_in_dim3A_176 : vector<256x1xf32> to vector<256x4096xf32>
    %gt3A_177 = arith.cmpf ogt, %add3A, %gt3A : vector<256x4096xf32>
    %convert_element_type3A = arith.extui %gt3A_177 : vector<256x4096xi1> to vector<256x4096xi32>
    %convert_element_type3A_178 = arith.sitofp %convert_element_type3A : vector<256x4096xi32> to vector<256x4096xf32>
    %reduce_sum3A_179 = arith.constant dense<0.000000e+00> : vector<256xf32>
    %reduce_sum3A_180 = vector.multi_reduction <add>, %convert_element_type3A_178, %reduce_sum3A_179 [1] : vector<256x4096xf32> to vector<256xf32>
    %broadcast_in_dim3A_181 = vector.shape_cast %reduce_sum3A_180 : vector<256xf32> to vector<256x1xf32>
    %lt3A = arith.constant 1.600000e+01 : f32
    %lt3A_182 = vector.broadcast %lt3A : f32 to vector<256x1xf32>
    %lt3A_183 = arith.cmpf olt, %broadcast_in_dim3A_181, %lt3A_182 : vector<256x1xf32>
    %select_n3A_184 = arith.select %lt3A_183, %select_n3A_169, %broadcast_in_dim3A_140 : vector<256x1xi1>, vector<256x1xi32>
    %select_n3A_185 = arith.select %lt3A_183, %broadcast_in_dim3A_142, %select_n3A_169 : vector<256x1xi1>, vector<256x1xi32>
    %add3A_186 = arith.addi %select_n3A_184, %select_n3A_185 : vector<256x1xi32>
    %jit3A_187 = arith.constant 2 : i32
    %div3A_188 = vector.broadcast %jit3A_187 : i32 to vector<256x1xi32>
    %div3A_189 = arith.divsi %add3A_186, %div3A_188 : vector<256x1xi32>
    %sign3A_190 = arith.constant 0 : i32
    %sign3A_191 = vector.broadcast %sign3A_190 : i32 to vector<256x1xi32>
    %sign3A_192 = arith.cmpi sgt, %add3A_186, %sign3A_191 : vector<256x1xi32>
    %sign3A_193 = arith.extui %sign3A_192 : vector<256x1xi1> to vector<256x1xi32>
    %sign3A_194 = arith.constant 0 : i32
    %sign3A_195 = vector.broadcast %sign3A_194 : i32 to vector<256x1xi32>
    %sign3A_196 = arith.cmpi slt, %add3A_186, %sign3A_195 : vector<256x1xi32>
    %sign3A_197 = arith.extui %sign3A_196 : vector<256x1xi1> to vector<256x1xi32>
    %sign3A_198 = arith.subi %sign3A_193, %sign3A_197 : vector<256x1xi32>
    %sign3A_199 = arith.constant 0 : i32
    %sign3A_200 = arith.cmpi sgt, %jit3A_187, %sign3A_199 : i32
    %sign3A_201 = arith.extui %sign3A_200 : i1 to i32
    %sign3A_202 = arith.constant 0 : i32
    %sign3A_203 = arith.cmpi slt, %jit3A_187, %sign3A_202 : i32
    %sign3A_204 = arith.extui %sign3A_203 : i1 to i32
    %sign3A_205 = arith.subi %sign3A_201, %sign3A_204 : i32
    %ne3A_206 = vector.broadcast %sign3A_205 : i32 to vector<256x1xi32>
    %ne3A_207 = arith.cmpi ne, %sign3A_198, %ne3A_206 : vector<256x1xi32>
    %rem3A_208 = vector.broadcast %jit3A_187 : i32 to vector<256x1xi32>
    %rem3A_209 = arith.remsi %add3A_186, %rem3A_208 : vector<256x1xi32>
    %ne3A_210 = arith.constant 0 : i32
    %ne3A_211 = vector.broadcast %ne3A_210 : i32 to vector<256x1xi32>
    %ne3A_212 = arith.cmpi ne, %rem3A_209, %ne3A_211 : vector<256x1xi32>
    %and3A_213 = arith.andi %ne3A_207, %ne3A_212 : vector<256x1xi1>
    %sub3A_214 = arith.constant 1 : i32
    %sub3A_215 = vector.broadcast %sub3A_214 : i32 to vector<256x1xi32>
    %sub3A_216 = arith.subi %div3A_189, %sub3A_215 : vector<256x1xi32>
    %select_n3A_217 = arith.select %and3A_213, %sub3A_216, %div3A_189 : vector<256x1xi1>, vector<256x1xi32>
    %eq3A_218 = vector.broadcast %select_n3A_217 : vector<256x1xi32> to vector<256x16xi32>
    %eq3A_219 = arith.cmpi eq, %iota3A, %eq3A_218 : vector<256x16xi32>
    %jit3A_220 = arith.constant 0.000000e+00 : f32
    %broadcast_in_dim3A_221 = vector.broadcast %jit3A_220 : f32 to vector<256x16xf32>
    %select_n3A_222 = arith.select %eq3A_219, %concatenate3A, %broadcast_in_dim3A_221 : vector<256x16xi1>, vector<256x16xf32>
    %reduce_sum3A_223 = arith.constant dense<0.000000e+00> : vector<256xf32>
    %reduce_sum3A_224 = vector.multi_reduction <add>, %select_n3A_222, %reduce_sum3A_223 [1] : vector<256x16xf32> to vector<256xf32>
    %broadcast_in_dim3A_225 = vector.shape_cast %reduce_sum3A_224 : vector<256xf32> to vector<256x1xf32>
    %gt3A_226 = vector.broadcast %broadcast_in_dim3A_225 : vector<256x1xf32> to vector<256x4096xf32>
    %gt3A_227 = arith.cmpf ogt, %add3A, %gt3A_226 : vector<256x4096xf32>
    %convert_element_type3A_228 = arith.extui %gt3A_227 : vector<256x4096xi1> to vector<256x4096xi32>
    %convert_element_type3A_229 = arith.sitofp %convert_element_type3A_228 : vector<256x4096xi32> to vector<256x4096xf32>
    %reduce_sum3A_230 = arith.constant dense<0.000000e+00> : vector<256xf32>
    %reduce_sum3A_231 = vector.multi_reduction <add>, %convert_element_type3A_229, %reduce_sum3A_230 [1] : vector<256x4096xf32> to vector<256xf32>
    %broadcast_in_dim3A_232 = vector.shape_cast %reduce_sum3A_231 : vector<256xf32> to vector<256x1xf32>
    %lt3A_233 = arith.constant 1.600000e+01 : f32
    %lt3A_234 = vector.broadcast %lt3A_233 : f32 to vector<256x1xf32>
    %lt3A_235 = arith.cmpf olt, %broadcast_in_dim3A_232, %lt3A_234 : vector<256x1xf32>
    %select_n3A_236 = arith.select %lt3A_235, %select_n3A_217, %select_n3A_184 : vector<256x1xi1>, vector<256x1xi32>
    %select_n3A_237 = arith.select %lt3A_235, %select_n3A_185, %select_n3A_217 : vector<256x1xi1>, vector<256x1xi32>
    %add3A_238 = arith.addi %select_n3A_236, %select_n3A_237 : vector<256x1xi32>
    %jit3A_239 = arith.constant 2 : i32
    %div3A_240 = vector.broadcast %jit3A_239 : i32 to vector<256x1xi32>
    %div3A_241 = arith.divsi %add3A_238, %div3A_240 : vector<256x1xi32>
    %sign3A_242 = arith.constant 0 : i32
    %sign3A_243 = vector.broadcast %sign3A_242 : i32 to vector<256x1xi32>
    %sign3A_244 = arith.cmpi sgt, %add3A_238, %sign3A_243 : vector<256x1xi32>
    %sign3A_245 = arith.extui %sign3A_244 : vector<256x1xi1> to vector<256x1xi32>
    %sign3A_246 = arith.constant 0 : i32
    %sign3A_247 = vector.broadcast %sign3A_246 : i32 to vector<256x1xi32>
    %sign3A_248 = arith.cmpi slt, %add3A_238, %sign3A_247 : vector<256x1xi32>
    %sign3A_249 = arith.extui %sign3A_248 : vector<256x1xi1> to vector<256x1xi32>
    %sign3A_250 = arith.subi %sign3A_245, %sign3A_249 : vector<256x1xi32>
    %sign3A_251 = arith.constant 0 : i32
    %sign3A_252 = arith.cmpi sgt, %jit3A_239, %sign3A_251 : i32
    %sign3A_253 = arith.extui %sign3A_252 : i1 to i32
    %sign3A_254 = arith.constant 0 : i32
    %sign3A_255 = arith.cmpi slt, %jit3A_239, %sign3A_254 : i32
    %sign3A_256 = arith.extui %sign3A_255 : i1 to i32
    %sign3A_257 = arith.subi %sign3A_253, %sign3A_256 : i32
    %ne3A_258 = vector.broadcast %sign3A_257 : i32 to vector<256x1xi32>
    %ne3A_259 = arith.cmpi ne, %sign3A_250, %ne3A_258 : vector<256x1xi32>
    %rem3A_260 = vector.broadcast %jit3A_239 : i32 to vector<256x1xi32>
    %rem3A_261 = arith.remsi %add3A_238, %rem3A_260 : vector<256x1xi32>
    %ne3A_262 = arith.constant 0 : i32
    %ne3A_263 = vector.broadcast %ne3A_262 : i32 to vector<256x1xi32>
    %ne3A_264 = arith.cmpi ne, %rem3A_261, %ne3A_263 : vector<256x1xi32>
    %and3A_265 = arith.andi %ne3A_259, %ne3A_264 : vector<256x1xi1>
    %sub3A_266 = arith.constant 1 : i32
    %sub3A_267 = vector.broadcast %sub3A_266 : i32 to vector<256x1xi32>
    %sub3A_268 = arith.subi %div3A_241, %sub3A_267 : vector<256x1xi32>
    %select_n3A_269 = arith.select %and3A_265, %sub3A_268, %div3A_241 : vector<256x1xi1>, vector<256x1xi32>
    %eq3A_270 = vector.broadcast %select_n3A_269 : vector<256x1xi32> to vector<256x16xi32>
    %eq3A_271 = arith.cmpi eq, %iota3A, %eq3A_270 : vector<256x16xi32>
    %jit3A_272 = arith.constant 0.000000e+00 : f32
    %broadcast_in_dim3A_273 = vector.broadcast %jit3A_272 : f32 to vector<256x16xf32>
    %select_n3A_274 = arith.select %eq3A_271, %concatenate3A, %broadcast_in_dim3A_273 : vector<256x16xi1>, vector<256x16xf32>
    %reduce_sum3A_275 = arith.constant dense<0.000000e+00> : vector<256xf32>
    %reduce_sum3A_276 = vector.multi_reduction <add>, %select_n3A_274, %reduce_sum3A_275 [1] : vector<256x16xf32> to vector<256xf32>
    %broadcast_in_dim3A_277 = vector.shape_cast %reduce_sum3A_276 : vector<256xf32> to vector<256x1xf32>
    %gt3A_278 = vector.broadcast %broadcast_in_dim3A_277 : vector<256x1xf32> to vector<256x4096xf32>
    %gt3A_279 = arith.cmpf ogt, %add3A, %gt3A_278 : vector<256x4096xf32>
    %convert_element_type3A_280 = arith.extui %gt3A_279 : vector<256x4096xi1> to vector<256x4096xi32>
    %convert_element_type3A_281 = arith.sitofp %convert_element_type3A_280 : vector<256x4096xi32> to vector<256x4096xf32>
    %reduce_sum3A_282 = arith.constant dense<0.000000e+00> : vector<256xf32>
    %reduce_sum3A_283 = vector.multi_reduction <add>, %convert_element_type3A_281, %reduce_sum3A_282 [1] : vector<256x4096xf32> to vector<256xf32>
    %broadcast_in_dim3A_284 = vector.shape_cast %reduce_sum3A_283 : vector<256xf32> to vector<256x1xf32>
    %lt3A_285 = arith.constant 1.600000e+01 : f32
    %lt3A_286 = vector.broadcast %lt3A_285 : f32 to vector<256x1xf32>
    %lt3A_287 = arith.cmpf olt, %broadcast_in_dim3A_284, %lt3A_286 : vector<256x1xf32>
    %select_n3A_288 = arith.select %lt3A_287, %select_n3A_269, %select_n3A_236 : vector<256x1xi1>, vector<256x1xi32>
    %select_n3A_289 = arith.select %lt3A_287, %select_n3A_237, %select_n3A_269 : vector<256x1xi1>, vector<256x1xi32>
    %add3A_290 = arith.addi %select_n3A_288, %select_n3A_289 : vector<256x1xi32>
    %jit3A_291 = arith.constant 2 : i32
    %div3A_292 = vector.broadcast %jit3A_291 : i32 to vector<256x1xi32>
    %div3A_293 = arith.divsi %add3A_290, %div3A_292 : vector<256x1xi32>
    %sign3A_294 = arith.constant 0 : i32
    %sign3A_295 = vector.broadcast %sign3A_294 : i32 to vector<256x1xi32>
    %sign3A_296 = arith.cmpi sgt, %add3A_290, %sign3A_295 : vector<256x1xi32>
    %sign3A_297 = arith.extui %sign3A_296 : vector<256x1xi1> to vector<256x1xi32>
    %sign3A_298 = arith.constant 0 : i32
    %sign3A_299 = vector.broadcast %sign3A_298 : i32 to vector<256x1xi32>
    %sign3A_300 = arith.cmpi slt, %add3A_290, %sign3A_299 : vector<256x1xi32>
    %sign3A_301 = arith.extui %sign3A_300 : vector<256x1xi1> to vector<256x1xi32>
    %sign3A_302 = arith.subi %sign3A_297, %sign3A_301 : vector<256x1xi32>
    %sign3A_303 = arith.constant 0 : i32
    %sign3A_304 = arith.cmpi sgt, %jit3A_291, %sign3A_303 : i32
    %sign3A_305 = arith.extui %sign3A_304 : i1 to i32
    %sign3A_306 = arith.constant 0 : i32
    %sign3A_307 = arith.cmpi slt, %jit3A_291, %sign3A_306 : i32
    %sign3A_308 = arith.extui %sign3A_307 : i1 to i32
    %sign3A_309 = arith.subi %sign3A_305, %sign3A_308 : i32
    %ne3A_310 = vector.broadcast %sign3A_309 : i32 to vector<256x1xi32>
    %ne3A_311 = arith.cmpi ne, %sign3A_302, %ne3A_310 : vector<256x1xi32>
    %rem3A_312 = vector.broadcast %jit3A_291 : i32 to vector<256x1xi32>
    %rem3A_313 = arith.remsi %add3A_290, %rem3A_312 : vector<256x1xi32>
    %ne3A_314 = arith.constant 0 : i32
    %ne3A_315 = vector.broadcast %ne3A_314 : i32 to vector<256x1xi32>
    %ne3A_316 = arith.cmpi ne, %rem3A_313, %ne3A_315 : vector<256x1xi32>
    %and3A_317 = arith.andi %ne3A_311, %ne3A_316 : vector<256x1xi1>
    %sub3A_318 = arith.constant 1 : i32
    %sub3A_319 = vector.broadcast %sub3A_318 : i32 to vector<256x1xi32>
    %sub3A_320 = arith.subi %div3A_293, %sub3A_319 : vector<256x1xi32>
    %select_n3A_321 = arith.select %and3A_317, %sub3A_320, %div3A_293 : vector<256x1xi1>, vector<256x1xi32>
    %eq3A_322 = vector.broadcast %select_n3A_321 : vector<256x1xi32> to vector<256x16xi32>
    %eq3A_323 = arith.cmpi eq, %iota3A, %eq3A_322 : vector<256x16xi32>
    %jit3A_324 = arith.constant 0.000000e+00 : f32
    %broadcast_in_dim3A_325 = vector.broadcast %jit3A_324 : f32 to vector<256x16xf32>
    %select_n3A_326 = arith.select %eq3A_323, %concatenate3A, %broadcast_in_dim3A_325 : vector<256x16xi1>, vector<256x16xf32>
    %reduce_sum3A_327 = arith.constant dense<0.000000e+00> : vector<256xf32>
    %reduce_sum3A_328 = vector.multi_reduction <add>, %select_n3A_326, %reduce_sum3A_327 [1] : vector<256x16xf32> to vector<256xf32>
    %broadcast_in_dim3A_329 = vector.shape_cast %reduce_sum3A_328 : vector<256xf32> to vector<256x1xf32>
    %gt3A_330 = vector.broadcast %broadcast_in_dim3A_329 : vector<256x1xf32> to vector<256x4096xf32>
    %gt3A_331 = arith.cmpf ogt, %add3A, %gt3A_330 : vector<256x4096xf32>
    %convert_element_type3A_332 = arith.extui %gt3A_331 : vector<256x4096xi1> to vector<256x4096xi32>
    %convert_element_type3A_333 = arith.sitofp %convert_element_type3A_332 : vector<256x4096xi32> to vector<256x4096xf32>
    %reduce_sum3A_334 = arith.constant dense<0.000000e+00> : vector<256xf32>
    %reduce_sum3A_335 = vector.multi_reduction <add>, %convert_element_type3A_333, %reduce_sum3A_334 [1] : vector<256x4096xf32> to vector<256xf32>
    %broadcast_in_dim3A_336 = vector.shape_cast %reduce_sum3A_335 : vector<256xf32> to vector<256x1xf32>
    %lt3A_337 = arith.constant 1.600000e+01 : f32
    %lt3A_338 = vector.broadcast %lt3A_337 : f32 to vector<256x1xf32>
    %lt3A_339 = arith.cmpf olt, %broadcast_in_dim3A_336, %lt3A_338 : vector<256x1xf32>
    %select_n3A_340 = arith.select %lt3A_339, %select_n3A_321, %select_n3A_288 : vector<256x1xi1>, vector<256x1xi32>
    %eq3A_341 = vector.broadcast %select_n3A_340 : vector<256x1xi32> to vector<256x16xi32>
    %eq3A_342 = arith.cmpi eq, %iota3A, %eq3A_341 : vector<256x16xi32>
    %jit3A_343 = arith.constant 0.000000e+00 : f32
    %broadcast_in_dim3A_344 = vector.broadcast %jit3A_343 : f32 to vector<256x16xf32>
    %select_n3A_345 = arith.select %eq3A_342, %concatenate3A, %broadcast_in_dim3A_344 : vector<256x16xi1>, vector<256x16xf32>
    %reduce_sum3A_346 = arith.constant dense<0.000000e+00> : vector<256xf32>
    %reduce_sum3A_347 = vector.multi_reduction <add>, %select_n3A_345, %reduce_sum3A_346 [1] : vector<256x16xf32> to vector<256xf32>
    %broadcast_in_dim3A_348 = vector.shape_cast %reduce_sum3A_347 : vector<256xf32> to vector<256x1xf32>
    %gt3A_349 = vector.broadcast %broadcast_in_dim3A_348 : vector<256x1xf32> to vector<256x4096xf32>
    %gt3A_350 = arith.cmpf ogt, %add3A, %gt3A_349 : vector<256x4096xf32>
    %convert_element_type3A_351 = arith.extui %gt3A_350 : vector<256x4096xi1> to vector<256x4096xi32>
    %convert_element_type3A_352 = arith.sitofp %convert_element_type3A_351 : vector<256x4096xi32> to vector<256x4096xf32>
    %reduce_sum3A_353 = arith.constant dense<0.000000e+00> : vector<256xf32>
    %reduce_sum3A_354 = vector.multi_reduction <add>, %convert_element_type3A_352, %reduce_sum3A_353 [1] : vector<256x4096xf32> to vector<256xf32>
    %broadcast_in_dim3A_355 = vector.shape_cast %reduce_sum3A_354 : vector<256xf32> to vector<256x1xf32>
    %sub3A_356 = arith.constant 1.600000e+01 : f32
    %sub3A_357 = vector.broadcast %sub3A_356 : f32 to vector<256x1xf32>
    %sub3A_358 = arith.subf %sub3A_357, %broadcast_in_dim3A_355 : vector<256x1xf32>
    %eq3A_359 = vector.broadcast %broadcast_in_dim3A_348 : vector<256x1xf32> to vector<256x4096xf32>
    %eq3A_360 = arith.cmpf oeq, %add3A, %eq3A_359 : vector<256x4096xf32>
    %convert_element_type3A_361 = arith.extui %eq3A_360 : vector<256x4096xi1> to vector<256x4096xi32>
    %convert_element_type3A_362 = arith.sitofp %convert_element_type3A_361 : vector<256x4096xi32> to vector<256x4096xf32>
    %convert_element_type3A_363 = arith.truncf %convert_element_type3A_362 : vector<256x4096xf32> to vector<256x4096xbf16>
    %get3A_364 = arith.constant 0 : index
    %get3A_365 = arith.constant 0 : index
    %get3A_366 = vector.load %arg6[%get3A_364, %get3A_365] : memref<128x128xbf16, #tpu.memory_space<vmem>>, vector<128x128xbf16>
    %slice3A = vector.extract_strided_slice %convert_element_type3A_363 {offsets = [0, 0], sizes = [256, 128], strides = [1, 1]} : vector<256x4096xbf16> to vector<256x128xbf16>
    %dot_general3A_367 = arith.constant dense<0.000000e+00> : vector<256x128xf32>
    %dot_general3A_368 = tpu.matmul %slice3A, %get3A_366, %dot_general3A_367 {dimension_numbers = #tpu.dot_dimension_numbers<[1], [0], [0], [1], [0, 0, 1, 1], [], []>, transpose_lhs_hint = false} : vector<256x128xbf16>, vector<128x128xbf16>, vector<256x128xf32> -> vector<256x128xf32>
    %slice3A_369 = vector.extract_strided_slice %convert_element_type3A_363 {offsets = [0, 128], sizes = [256, 128], strides = [1, 1]} : vector<256x4096xbf16> to vector<256x128xbf16>
    %dot_general3A_370 = arith.constant dense<0.000000e+00> : vector<256x128xf32>
    %dot_general3A_371 = tpu.matmul %slice3A_369, %get3A_366, %dot_general3A_370 {dimension_numbers = #tpu.dot_dimension_numbers<[1], [0], [0], [1], [0, 0, 1, 1], [], []>, transpose_lhs_hint = false} : vector<256x128xbf16>, vector<128x128xbf16>, vector<256x128xf32> -> vector<256x128xf32>
    %slice3A_372 = vector.extract_strided_slice %convert_element_type3A_363 {offsets = [0, 256], sizes = [256, 128], strides = [1, 1]} : vector<256x4096xbf16> to vector<256x128xbf16>
    %dot_general3A_373 = arith.constant dense<0.000000e+00> : vector<256x128xf32>
    %dot_general3A_374 = tpu.matmul %slice3A_372, %get3A_366, %dot_general3A_373 {dimension_numbers = #tpu.dot_dimension_numbers<[1], [0], [0], [1], [0, 0, 1, 1], [], []>, transpose_lhs_hint = false} : vector<256x128xbf16>, vector<128x128xbf16>, vector<256x128xf32> -> vector<256x128xf32>
    %slice3A_375 = vector.extract_strided_slice %convert_element_type3A_363 {offsets = [0, 384], sizes = [256, 128], strides = [1, 1]} : vector<256x4096xbf16> to vector<256x128xbf16>
    %dot_general3A_376 = arith.constant dense<0.000000e+00> : vector<256x128xf32>
    %dot_general3A_377 = tpu.matmul %slice3A_375, %get3A_366, %dot_general3A_376 {dimension_numbers = #tpu.dot_dimension_numbers<[1], [0], [0], [1], [0, 0, 1, 1], [], []>, transpose_lhs_hint = false} : vector<256x128xbf16>, vector<128x128xbf16>, vector<256x128xf32> -> vector<256x128xf32>
    %slice3A_378 = vector.extract_strided_slice %convert_element_type3A_363 {offsets = [0, 512], sizes = [256, 128], strides = [1, 1]} : vector<256x4096xbf16> to vector<256x128xbf16>
    %dot_general3A_379 = arith.constant dense<0.000000e+00> : vector<256x128xf32>
    %dot_general3A_380 = tpu.matmul %slice3A_378, %get3A_366, %dot_general3A_379 {dimension_numbers = #tpu.dot_dimension_numbers<[1], [0], [0], [1], [0, 0, 1, 1], [], []>, transpose_lhs_hint = false} : vector<256x128xbf16>, vector<128x128xbf16>, vector<256x128xf32> -> vector<256x128xf32>
    %slice3A_381 = vector.extract_strided_slice %convert_element_type3A_363 {offsets = [0, 640], sizes = [256, 128], strides = [1, 1]} : vector<256x4096xbf16> to vector<256x128xbf16>
    %dot_general3A_382 = arith.constant dense<0.000000e+00> : vector<256x128xf32>
    %dot_general3A_383 = tpu.matmul %slice3A_381, %get3A_366, %dot_general3A_382 {dimension_numbers = #tpu.dot_dimension_numbers<[1], [0], [0], [1], [0, 0, 1, 1], [], []>, transpose_lhs_hint = false} : vector<256x128xbf16>, vector<128x128xbf16>, vector<256x128xf32> -> vector<256x128xf32>
    %slice3A_384 = vector.extract_strided_slice %convert_element_type3A_363 {offsets = [0, 768], sizes = [256, 128], strides = [1, 1]} : vector<256x4096xbf16> to vector<256x128xbf16>
    %dot_general3A_385 = arith.constant dense<0.000000e+00> : vector<256x128xf32>
    %dot_general3A_386 = tpu.matmul %slice3A_384, %get3A_366, %dot_general3A_385 {dimension_numbers = #tpu.dot_dimension_numbers<[1], [0], [0], [1], [0, 0, 1, 1], [], []>, transpose_lhs_hint = false} : vector<256x128xbf16>, vector<128x128xbf16>, vector<256x128xf32> -> vector<256x128xf32>
    %slice3A_387 = vector.extract_strided_slice %convert_element_type3A_363 {offsets = [0, 896], sizes = [256, 128], strides = [1, 1]} : vector<256x4096xbf16> to vector<256x128xbf16>
    %dot_general3A_388 = arith.constant dense<0.000000e+00> : vector<256x128xf32>
    %dot_general3A_389 = tpu.matmul %slice3A_387, %get3A_366, %dot_general3A_388 {dimension_numbers = #tpu.dot_dimension_numbers<[1], [0], [0], [1], [0, 0, 1, 1], [], []>, transpose_lhs_hint = false} : vector<256x128xbf16>, vector<128x128xbf16>, vector<256x128xf32> -> vector<256x128xf32>
    %slice3A_390 = vector.extract_strided_slice %convert_element_type3A_363 {offsets = [0, 1024], sizes = [256, 128], strides = [1, 1]} : vector<256x4096xbf16> to vector<256x128xbf16>
    %dot_general3A_391 = arith.constant dense<0.000000e+00> : vector<256x128xf32>
    %dot_general3A_392 = tpu.matmul %slice3A_390, %get3A_366, %dot_general3A_391 {dimension_numbers = #tpu.dot_dimension_numbers<[1], [0], [0], [1], [0, 0, 1, 1], [], []>, transpose_lhs_hint = false} : vector<256x128xbf16>, vector<128x128xbf16>, vector<256x128xf32> -> vector<256x128xf32>
    %slice3A_393 = vector.extract_strided_slice %convert_element_type3A_363 {offsets = [0, 1152], sizes = [256, 128], strides = [1, 1]} : vector<256x4096xbf16> to vector<256x128xbf16>
    %dot_general3A_394 = arith.constant dense<0.000000e+00> : vector<256x128xf32>
    %dot_general3A_395 = tpu.matmul %slice3A_393, %get3A_366, %dot_general3A_394 {dimension_numbers = #tpu.dot_dimension_numbers<[1], [0], [0], [1], [0, 0, 1, 1], [], []>, transpose_lhs_hint = false} : vector<256x128xbf16>, vector<128x128xbf16>, vector<256x128xf32> -> vector<256x128xf32>
    %slice3A_396 = vector.extract_strided_slice %convert_element_type3A_363 {offsets = [0, 1280], sizes = [256, 128], strides = [1, 1]} : vector<256x4096xbf16> to vector<256x128xbf16>
    %dot_general3A_397 = arith.constant dense<0.000000e+00> : vector<256x128xf32>
    %dot_general3A_398 = tpu.matmul %slice3A_396, %get3A_366, %dot_general3A_397 {dimension_numbers = #tpu.dot_dimension_numbers<[1], [0], [0], [1], [0, 0, 1, 1], [], []>, transpose_lhs_hint = false} : vector<256x128xbf16>, vector<128x128xbf16>, vector<256x128xf32> -> vector<256x128xf32>
    %slice3A_399 = vector.extract_strided_slice %convert_element_type3A_363 {offsets = [0, 1408], sizes = [256, 128], strides = [1, 1]} : vector<256x4096xbf16> to vector<256x128xbf16>
    %dot_general3A_400 = arith.constant dense<0.000000e+00> : vector<256x128xf32>
    %dot_general3A_401 = tpu.matmul %slice3A_399, %get3A_366, %dot_general3A_400 {dimension_numbers = #tpu.dot_dimension_numbers<[1], [0], [0], [1], [0, 0, 1, 1], [], []>, transpose_lhs_hint = false} : vector<256x128xbf16>, vector<128x128xbf16>, vector<256x128xf32> -> vector<256x128xf32>
    %slice3A_402 = vector.extract_strided_slice %convert_element_type3A_363 {offsets = [0, 1536], sizes = [256, 128], strides = [1, 1]} : vector<256x4096xbf16> to vector<256x128xbf16>
    %dot_general3A_403 = arith.constant dense<0.000000e+00> : vector<256x128xf32>
    %dot_general3A_404 = tpu.matmul %slice3A_402, %get3A_366, %dot_general3A_403 {dimension_numbers = #tpu.dot_dimension_numbers<[1], [0], [0], [1], [0, 0, 1, 1], [], []>, transpose_lhs_hint = false} : vector<256x128xbf16>, vector<128x128xbf16>, vector<256x128xf32> -> vector<256x128xf32>
    %slice3A_405 = vector.extract_strided_slice %convert_element_type3A_363 {offsets = [0, 1664], sizes = [256, 128], strides = [1, 1]} : vector<256x4096xbf16> to vector<256x128xbf16>
    %dot_general3A_406 = arith.constant dense<0.000000e+00> : vector<256x128xf32>
    %dot_general3A_407 = tpu.matmul %slice3A_405, %get3A_366, %dot_general3A_406 {dimension_numbers = #tpu.dot_dimension_numbers<[1], [0], [0], [1], [0, 0, 1, 1], [], []>, transpose_lhs_hint = false} : vector<256x128xbf16>, vector<128x128xbf16>, vector<256x128xf32> -> vector<256x128xf32>
    %slice3A_408 = vector.extract_strided_slice %convert_element_type3A_363 {offsets = [0, 1792], sizes = [256, 128], strides = [1, 1]} : vector<256x4096xbf16> to vector<256x128xbf16>
    %dot_general3A_409 = arith.constant dense<0.000000e+00> : vector<256x128xf32>
    %dot_general3A_410 = tpu.matmul %slice3A_408, %get3A_366, %dot_general3A_409 {dimension_numbers = #tpu.dot_dimension_numbers<[1], [0], [0], [1], [0, 0, 1, 1], [], []>, transpose_lhs_hint = false} : vector<256x128xbf16>, vector<128x128xbf16>, vector<256x128xf32> -> vector<256x128xf32>
    %slice3A_411 = vector.extract_strided_slice %convert_element_type3A_363 {offsets = [0, 1920], sizes = [256, 128], strides = [1, 1]} : vector<256x4096xbf16> to vector<256x128xbf16>
    %dot_general3A_412 = arith.constant dense<0.000000e+00> : vector<256x128xf32>
    %dot_general3A_413 = tpu.matmul %slice3A_411, %get3A_366, %dot_general3A_412 {dimension_numbers = #tpu.dot_dimension_numbers<[1], [0], [0], [1], [0, 0, 1, 1], [], []>, transpose_lhs_hint = false} : vector<256x128xbf16>, vector<128x128xbf16>, vector<256x128xf32> -> vector<256x128xf32>
    %slice3A_414 = vector.extract_strided_slice %convert_element_type3A_363 {offsets = [0, 2048], sizes = [256, 128], strides = [1, 1]} : vector<256x4096xbf16> to vector<256x128xbf16>
    %dot_general3A_415 = arith.constant dense<0.000000e+00> : vector<256x128xf32>
    %dot_general3A_416 = tpu.matmul %slice3A_414, %get3A_366, %dot_general3A_415 {dimension_numbers = #tpu.dot_dimension_numbers<[1], [0], [0], [1], [0, 0, 1, 1], [], []>, transpose_lhs_hint = false} : vector<256x128xbf16>, vector<128x128xbf16>, vector<256x128xf32> -> vector<256x128xf32>
    %slice3A_417 = vector.extract_strided_slice %convert_element_type3A_363 {offsets = [0, 2176], sizes = [256, 128], strides = [1, 1]} : vector<256x4096xbf16> to vector<256x128xbf16>
    %dot_general3A_418 = arith.constant dense<0.000000e+00> : vector<256x128xf32>
    %dot_general3A_419 = tpu.matmul %slice3A_417, %get3A_366, %dot_general3A_418 {dimension_numbers = #tpu.dot_dimension_numbers<[1], [0], [0], [1], [0, 0, 1, 1], [], []>, transpose_lhs_hint = false} : vector<256x128xbf16>, vector<128x128xbf16>, vector<256x128xf32> -> vector<256x128xf32>
    %slice3A_420 = vector.extract_strided_slice %convert_element_type3A_363 {offsets = [0, 2304], sizes = [256, 128], strides = [1, 1]} : vector<256x4096xbf16> to vector<256x128xbf16>
    %dot_general3A_421 = arith.constant dense<0.000000e+00> : vector<256x128xf32>
    %dot_general3A_422 = tpu.matmul %slice3A_420, %get3A_366, %dot_general3A_421 {dimension_numbers = #tpu.dot_dimension_numbers<[1], [0], [0], [1], [0, 0, 1, 1], [], []>, transpose_lhs_hint = false} : vector<256x128xbf16>, vector<128x128xbf16>, vector<256x128xf32> -> vector<256x128xf32>
    %slice3A_423 = vector.extract_strided_slice %convert_element_type3A_363 {offsets = [0, 2432], sizes = [256, 128], strides = [1, 1]} : vector<256x4096xbf16> to vector<256x128xbf16>
    %dot_general3A_424 = arith.constant dense<0.000000e+00> : vector<256x128xf32>
    %dot_general3A_425 = tpu.matmul %slice3A_423, %get3A_366, %dot_general3A_424 {dimension_numbers = #tpu.dot_dimension_numbers<[1], [0], [0], [1], [0, 0, 1, 1], [], []>, transpose_lhs_hint = false} : vector<256x128xbf16>, vector<128x128xbf16>, vector<256x128xf32> -> vector<256x128xf32>
    %slice3A_426 = vector.extract_strided_slice %convert_element_type3A_363 {offsets = [0, 2560], sizes = [256, 128], strides = [1, 1]} : vector<256x4096xbf16> to vector<256x128xbf16>
    %dot_general3A_427 = arith.constant dense<0.000000e+00> : vector<256x128xf32>
    %dot_general3A_428 = tpu.matmul %slice3A_426, %get3A_366, %dot_general3A_427 {dimension_numbers = #tpu.dot_dimension_numbers<[1], [0], [0], [1], [0, 0, 1, 1], [], []>, transpose_lhs_hint = false} : vector<256x128xbf16>, vector<128x128xbf16>, vector<256x128xf32> -> vector<256x128xf32>
    %slice3A_429 = vector.extract_strided_slice %convert_element_type3A_363 {offsets = [0, 2688], sizes = [256, 128], strides = [1, 1]} : vector<256x4096xbf16> to vector<256x128xbf16>
    %dot_general3A_430 = arith.constant dense<0.000000e+00> : vector<256x128xf32>
    %dot_general3A_431 = tpu.matmul %slice3A_429, %get3A_366, %dot_general3A_430 {dimension_numbers = #tpu.dot_dimension_numbers<[1], [0], [0], [1], [0, 0, 1, 1], [], []>, transpose_lhs_hint = false} : vector<256x128xbf16>, vector<128x128xbf16>, vector<256x128xf32> -> vector<256x128xf32>
    %slice3A_432 = vector.extract_strided_slice %convert_element_type3A_363 {offsets = [0, 2816], sizes = [256, 128], strides = [1, 1]} : vector<256x4096xbf16> to vector<256x128xbf16>
    %dot_general3A_433 = arith.constant dense<0.000000e+00> : vector<256x128xf32>
    %dot_general3A_434 = tpu.matmul %slice3A_432, %get3A_366, %dot_general3A_433 {dimension_numbers = #tpu.dot_dimension_numbers<[1], [0], [0], [1], [0, 0, 1, 1], [], []>, transpose_lhs_hint = false} : vector<256x128xbf16>, vector<128x128xbf16>, vector<256x128xf32> -> vector<256x128xf32>
    %slice3A_435 = vector.extract_strided_slice %convert_element_type3A_363 {offsets = [0, 2944], sizes = [256, 128], strides = [1, 1]} : vector<256x4096xbf16> to vector<256x128xbf16>
    %dot_general3A_436 = arith.constant dense<0.000000e+00> : vector<256x128xf32>
    %dot_general3A_437 = tpu.matmul %slice3A_435, %get3A_366, %dot_general3A_436 {dimension_numbers = #tpu.dot_dimension_numbers<[1], [0], [0], [1], [0, 0, 1, 1], [], []>, transpose_lhs_hint = false} : vector<256x128xbf16>, vector<128x128xbf16>, vector<256x128xf32> -> vector<256x128xf32>
    %slice3A_438 = vector.extract_strided_slice %convert_element_type3A_363 {offsets = [0, 3072], sizes = [256, 128], strides = [1, 1]} : vector<256x4096xbf16> to vector<256x128xbf16>
    %dot_general3A_439 = arith.constant dense<0.000000e+00> : vector<256x128xf32>
    %dot_general3A_440 = tpu.matmul %slice3A_438, %get3A_366, %dot_general3A_439 {dimension_numbers = #tpu.dot_dimension_numbers<[1], [0], [0], [1], [0, 0, 1, 1], [], []>, transpose_lhs_hint = false} : vector<256x128xbf16>, vector<128x128xbf16>, vector<256x128xf32> -> vector<256x128xf32>
    %slice3A_441 = vector.extract_strided_slice %convert_element_type3A_363 {offsets = [0, 3200], sizes = [256, 128], strides = [1, 1]} : vector<256x4096xbf16> to vector<256x128xbf16>
    %dot_general3A_442 = arith.constant dense<0.000000e+00> : vector<256x128xf32>
    %dot_general3A_443 = tpu.matmul %slice3A_441, %get3A_366, %dot_general3A_442 {dimension_numbers = #tpu.dot_dimension_numbers<[1], [0], [0], [1], [0, 0, 1, 1], [], []>, transpose_lhs_hint = false} : vector<256x128xbf16>, vector<128x128xbf16>, vector<256x128xf32> -> vector<256x128xf32>
    %slice3A_444 = vector.extract_strided_slice %convert_element_type3A_363 {offsets = [0, 3328], sizes = [256, 128], strides = [1, 1]} : vector<256x4096xbf16> to vector<256x128xbf16>
    %dot_general3A_445 = arith.constant dense<0.000000e+00> : vector<256x128xf32>
    %dot_general3A_446 = tpu.matmul %slice3A_444, %get3A_366, %dot_general3A_445 {dimension_numbers = #tpu.dot_dimension_numbers<[1], [0], [0], [1], [0, 0, 1, 1], [], []>, transpose_lhs_hint = false} : vector<256x128xbf16>, vector<128x128xbf16>, vector<256x128xf32> -> vector<256x128xf32>
    %slice3A_447 = vector.extract_strided_slice %convert_element_type3A_363 {offsets = [0, 3456], sizes = [256, 128], strides = [1, 1]} : vector<256x4096xbf16> to vector<256x128xbf16>
    %dot_general3A_448 = arith.constant dense<0.000000e+00> : vector<256x128xf32>
    %dot_general3A_449 = tpu.matmul %slice3A_447, %get3A_366, %dot_general3A_448 {dimension_numbers = #tpu.dot_dimension_numbers<[1], [0], [0], [1], [0, 0, 1, 1], [], []>, transpose_lhs_hint = false} : vector<256x128xbf16>, vector<128x128xbf16>, vector<256x128xf32> -> vector<256x128xf32>
    %slice3A_450 = vector.extract_strided_slice %convert_element_type3A_363 {offsets = [0, 3584], sizes = [256, 128], strides = [1, 1]} : vector<256x4096xbf16> to vector<256x128xbf16>
    %dot_general3A_451 = arith.constant dense<0.000000e+00> : vector<256x128xf32>
    %dot_general3A_452 = tpu.matmul %slice3A_450, %get3A_366, %dot_general3A_451 {dimension_numbers = #tpu.dot_dimension_numbers<[1], [0], [0], [1], [0, 0, 1, 1], [], []>, transpose_lhs_hint = false} : vector<256x128xbf16>, vector<128x128xbf16>, vector<256x128xf32> -> vector<256x128xf32>
    %slice3A_453 = vector.extract_strided_slice %convert_element_type3A_363 {offsets = [0, 3712], sizes = [256, 128], strides = [1, 1]} : vector<256x4096xbf16> to vector<256x128xbf16>
    %dot_general3A_454 = arith.constant dense<0.000000e+00> : vector<256x128xf32>
    %dot_general3A_455 = tpu.matmul %slice3A_453, %get3A_366, %dot_general3A_454 {dimension_numbers = #tpu.dot_dimension_numbers<[1], [0], [0], [1], [0, 0, 1, 1], [], []>, transpose_lhs_hint = false} : vector<256x128xbf16>, vector<128x128xbf16>, vector<256x128xf32> -> vector<256x128xf32>
    %slice3A_456 = vector.extract_strided_slice %convert_element_type3A_363 {offsets = [0, 3840], sizes = [256, 128], strides = [1, 1]} : vector<256x4096xbf16> to vector<256x128xbf16>
    %dot_general3A_457 = arith.constant dense<0.000000e+00> : vector<256x128xf32>
    %dot_general3A_458 = tpu.matmul %slice3A_456, %get3A_366, %dot_general3A_457 {dimension_numbers = #tpu.dot_dimension_numbers<[1], [0], [0], [1], [0, 0, 1, 1], [], []>, transpose_lhs_hint = false} : vector<256x128xbf16>, vector<128x128xbf16>, vector<256x128xf32> -> vector<256x128xf32>
    %slice3A_459 = vector.extract_strided_slice %convert_element_type3A_363 {offsets = [0, 3968], sizes = [256, 128], strides = [1, 1]} : vector<256x4096xbf16> to vector<256x128xbf16>
    %dot_general3A_460 = arith.constant dense<0.000000e+00> : vector<256x128xf32>
    %dot_general3A_461 = tpu.matmul %slice3A_459, %get3A_366, %dot_general3A_460 {dimension_numbers = #tpu.dot_dimension_numbers<[1], [0], [0], [1], [0, 0, 1, 1], [], []>, transpose_lhs_hint = false} : vector<256x128xbf16>, vector<128x128xbf16>, vector<256x128xf32> -> vector<256x128xf32>
    %concatenate3A_462 = tpu.concatenate %dot_general3A_368, %dot_general3A_371, %dot_general3A_374, %dot_general3A_377, %dot_general3A_380, %dot_general3A_383, %dot_general3A_386, %dot_general3A_389, %dot_general3A_392, %dot_general3A_395, %dot_general3A_398, %dot_general3A_401, %dot_general3A_404, %dot_general3A_407, %dot_general3A_410, %dot_general3A_413, %dot_general3A_416, %dot_general3A_419, %dot_general3A_422, %dot_general3A_425, %dot_general3A_428, %dot_general3A_431, %dot_general3A_434, %dot_general3A_437, %dot_general3A_440, %dot_general3A_443, %dot_general3A_446, %dot_general3A_449, %dot_general3A_452, %dot_general3A_455, %dot_general3A_458, %dot_general3A_461 in 1 : vector<256x128xf32>, vector<256x128xf32>, vector<256x128xf32>, vector<256x128xf32>, vector<256x128xf32>, vector<256x128xf32>, vector<256x128xf32>, vector<256x128xf32>, vector<256x128xf32>, vector<256x128xf32>, vector<256x128xf32>, vector<256x128xf32>, vector<256x128xf32>, vector<256x128xf32>, vector<256x128xf32>, vector<256x128xf32>, vector<256x128xf32>, vector<256x128xf32>, vector<256x128xf32>, vector<256x128xf32>, vector<256x128xf32>, vector<256x128xf32>, vector<256x128xf32>, vector<256x128xf32>, vector<256x128xf32>, vector<256x128xf32>, vector<256x128xf32>, vector<256x128xf32>, vector<256x128xf32>, vector<256x128xf32>, vector<256x128xf32>, vector<256x128xf32> -> vector<256x4096xf32>
    %get3A_463 = arith.constant 0 : index
    %get3A_464 = arith.constant 0 : index
    %get3A_465 = vector.load %arg7[%get3A_463, %get3A_464] : memref<4096x32xbf16, #tpu.memory_space<vmem>>, vector<4096x32xbf16>
    %dot_general3A_466 = arith.constant dense<0.000000e+00> : vector<256x32xf32>
    %dot_general3A_467 = tpu.matmul %convert_element_type3A_363, %get3A_465, %dot_general3A_466 {dimension_numbers = #tpu.dot_dimension_numbers<[1], [0], [0], [1], [0, 0, 1, 1], [], []>, transpose_lhs_hint = false} : vector<256x4096xbf16>, vector<4096x32xbf16>, vector<256x32xf32> -> vector<256x32xf32>
    %get3A_468 = arith.constant 0 : index
    %get3A_469 = arith.constant 0 : index
    %get3A_470 = vector.load %arg8[%get3A_468, %get3A_469] : memref<32x32xf32, #tpu.memory_space<vmem>>, vector<32x32xf32>
    %dot_general3A_471 = arith.constant dense<0.000000e+00> : vector<256x32xf32>
    %dot_general3A_472 = tpu.matmul %dot_general3A_467, %get3A_470, %dot_general3A_471 {dimension_numbers = #tpu.dot_dimension_numbers<[1], [0], [0], [1], [0, 0, 1, 1], [], []>, transpose_lhs_hint = false} : vector<256x32xf32>, vector<32x32xf32>, vector<256x32xf32> -> vector<256x32xf32>
    %get3A_473 = arith.constant 0 : index
    %get3A_474 = arith.constant 0 : index
    %get3A_475 = vector.load %arg9[%get3A_473, %get3A_474] : memref<32x4096xf32, #tpu.memory_space<vmem>>, vector<32x4096xf32>
    %dot_general3A_476 = arith.constant dense<0.000000e+00> : vector<256x4096xf32>
    %dot_general3A_477 = tpu.matmul %dot_general3A_472, %get3A_475, %dot_general3A_476 {dimension_numbers = #tpu.dot_dimension_numbers<[1], [0], [0], [1], [0, 0, 1, 1], [], []>, transpose_lhs_hint = false} : vector<256x32xf32>, vector<32x4096xf32>, vector<256x4096xf32> -> vector<256x4096xf32>
    %add3A_478 = arith.addf %concatenate3A_462, %dot_general3A_477 : vector<256x4096xf32>
    %le3A = vector.broadcast %sub3A_358 : vector<256x1xf32> to vector<256x4096xf32>
    %le3A_479 = arith.cmpf ole, %add3A_478, %le3A : vector<256x4096xf32>
    %and3A_480 = arith.andi %eq3A_360, %le3A_479 : vector<256x4096xi1>
    %or3A = arith.ori %gt3A_350, %and3A_480 : vector<256x4096xi1>
    %jit3A_481 = arith.constant 0.000000e+00 : f32
    %broadcast_in_dim3A_482 = vector.broadcast %jit3A_481 : f32 to vector<256x4096xf32>
    %select_n3A_483 = arith.select %or3A, %max3A_17, %broadcast_in_dim3A_482 : vector<256x4096xi1>, vector<256x4096xf32>
    %swap3A = arith.constant 0 : index
    %swap3A_484 = arith.constant 0 : index
    %swap3A_485 = vector.load %arg10[%swap3A, %swap3A_484] : memref<256x4096xf32, #tpu.memory_space<vmem>>, vector<256x4096xf32>
    tpu.vector_store %arg10[%swap3A, %swap3A_484], %select_n3A_483 {strides = array<i32>} : memref<256x4096xf32, #tpu.memory_space<vmem>>, vector<256x4096xf32>,
    return
  }
  func.func @transform_0(%arg0: i32) -> (i32, i32) {
    %c0_i32 = arith.constant 0 : i32
    %c0_i32_0 = arith.constant 0 : i32
    %c0_i32_1 = arith.constant 0 : i32
    return %c0_i32, %c0_i32_0 : i32, i32
  }
  func.func @transform_1(%arg0: i32) -> (i32, i32) {
    %c0_i32 = arith.constant 0 : i32
    %c0_i32_0 = arith.constant 0 : i32
    %c0_i32_1 = arith.constant 0 : i32
    return %c0_i32, %c0_i32_0 : i32, i32
  }
  func.func @transform_2(%arg0: i32) -> (i32, i32) {
    %c0_i32 = arith.constant 0 : i32
    %c0_i32_0 = arith.constant 0 : i32
    return %arg0, %c0_i32 : i32, i32
  }
  func.func @transform_3(%arg0: i32) -> (i32, i32) {
    %c0_i32 = arith.constant 0 : i32
    %c0_i32_0 = arith.constant 0 : i32
    return %arg0, %c0_i32 : i32, i32
  }
  func.func @transform_4(%arg0: i32) -> (i32, i32) {
    %c0_i32 = arith.constant 0 : i32
    %c0_i32_0 = arith.constant 0 : i32
    return %arg0, %c0_i32 : i32, i32
  }
  func.func @transform_5(%arg0: i32) -> (i32, i32) {
    %c0_i32 = arith.constant 0 : i32
    %c0_i32_0 = arith.constant 0 : i32
    %c0_i32_1 = arith.constant 0 : i32
    return %c0_i32, %c0_i32_0 : i32, i32
  }
  func.func @transform_6(%arg0: i32) -> (i32, i32) {
    %c0_i32 = arith.constant 0 : i32
    %c0_i32_0 = arith.constant 0 : i32
    %c0_i32_1 = arith.constant 0 : i32
    return %c0_i32, %c0_i32_0 : i32, i32
  }
  func.func @transform_7(%arg0: i32) -> (i32, i32) {
    %c0_i32 = arith.constant 0 : i32
    %c0_i32_0 = arith.constant 0 : i32
    %c0_i32_1 = arith.constant 0 : i32
    return %c0_i32, %c0_i32_0 : i32, i32
  }
  func.func @transform_8(%arg0: i32) -> (i32, i32) {
    %c0_i32 = arith.constant 0 : i32
    %c0_i32_0 = arith.constant 0 : i32
    %c0_i32_1 = arith.constant 0 : i32
    return %c0_i32, %c0_i32_0 : i32, i32
  }
  func.func @transform_9(%arg0: i32) -> (i32, i32) {
    %c0_i32 = arith.constant 0 : i32
    %c0_i32_0 = arith.constant 0 : i32
    return %arg0, %c0_i32 : i32, i32
  }
}

</mosaic_0001>

<sc_bundles>
// kernel: kernel.5.cloned.1.call-start
scs
__scs_entry_jumppad:
0x0: {  	(pc) =	sbr.rel $0x88, $3  }
0x1: {  	(tag) =	ssettag $0x0;
	lr =	simm.s32 $0x1  }
0x2: {  	[smem:$0x3F99] =	sst lr;
	_ =	strace $0xD0000000  }
0x3: {  	_ = 	snop  }
0x4: {  	_ = 	snop  }
0x5: {  	_ = 	snop  }
0x6: {  	_ = 	snop  }
0x7: {  	_ = 	snop  }
__scs_overlays_trampoline_lowered:
0x8: {  	[smem:$0x3FA8] =	sst s0  }
0x9: {  	[smem:$0x3FA9] =	sst s1  }
0xa: {  	[smem:$0x3FAA] =	sst s2  }
0xb: {  	[smem:$0x3FAB] =	sst s3  }
0xc: {  	[smem:$0x3FAC] =	sst s4  }
0xd: {  	[smem:$0x3FAD] =	sst s5  }
0xe: {  	[smem:$0x3FAE] =	sst s6  }
0xf: {  	[smem:$0x3FAF] =	sst s7  }
0x10: {  	[smem:$0x3FB0] =	sst s8  }
0x11: {  	[smem:$0x3FB1] =	sst s9;
	s0 =	simm.s32 @!p0 $0x0  }
0x12: {  	s1 =	sld [smem:$0x3F97];
	s0 =	simm.s32 @p0 $0x1  }
0x13: {  	[smem:$0x3FB2] =	sst s0;
	s0 =	simm.s32 @!p1 $0x0  }
0x14: {  	s2 =	sld [smem:$0x3F96];
	s0 =	simm.s32 @p1 $0x1  }
0x15: {  	[smem:$0x3FB3] =	sst s0;
	s0 =	simm.s32 @!p2 $0x0  }
0x16: {  	s3 =	sld [smem:$0x3FDB];
	s0 =	simm.s32 @p2 $0x1  }
0x17: {  	s4 =	simm.s32 $0x1BF5;
	[smem:$0x3FB5] =	sst s0  }
0x18: {  	s0 =	sld [smem:$0x3F98];
	_ =	swait.ge [sflag:s4], $0x0  }
0x19: {  	s7 =	sld [smem:$0x3F99]  }
0x1a: {  	s8 =	sadd.s32 $0xFFFFE003, lr  }
0x1b: {  	s9 =	sadd.s32 $0xFFFFFEF7, lr;
	s5 =	simm.s32 $0xFFFFFFFF;
	p2 =	slt.u32 s8, $0xFFFFF086  }
0x1c: {  	p1 =	slt.u32 s9, $0xF7A;
	s5 =	simm.s32 @!p2 $0x0  }
0x1d: {  	s5 =	simm.s32 @p1 $0x1;
	p0 =	seq.s32 s7, s2  }
0x1e: {  	s7 =	smul.u32 @!p0 $0xF7A, s2;
	p2 =	seq.s32 @!p0 s5, $0x0  }
0x1f: {  	s9 =	smul.u32 $0xF7A, s1;
	s8 =	simm.s32 @!p0 $0x1BF5;
	p2 =	por !p2, p0  }
0x20: {  	[sflag:s8] =	ssyncset.s32 @!p0 $0xFFFFF086;
	s6 =	sadd.s32 @!p0 s3, s7;
	s7 =	simm.s32 @!p0 $0x108  }
0x21: {  	s3 =	sadd.s32 s3, s9;
	s6 =	sadd.s32 @!p0 $0x88, s6;
	s7 =	simm.s32 @p2 $0x1082  }
0x22: {  	[simem:s7], [sflag:s8] =	dma.local @!p0 [hbm:s6], $0xF7A  }
0x23: {  	s9 =	sor.u32 $0xD0000000, s2;
	s6 =	simm.s32 $0x108;
	_ =	swait.ge @!p0 [sflag:s8], $0x0  }
0x24: {  	s3 =	sadd.s32 $0x88, s3;
	s6 =	simm.s32 @!p1 $0x1082;
	[sflag:s4] =	ssyncset.s32 $0xFFFFF086  }
0x25: {  	[simem:s6], [sflag:s4] =	dma.local [hbm:s3], $0xF7A  }
0x26: {  	[smem:$0x3F99] =	sst s1;
	(tag) =	ssettag s2;
	_ =	strace s9  }
0x27: {  	s1 =	sld [smem:$0x3FA9]  }
0x28: {  	s2 =	sld [smem:$0x3FAA]  }
0x29: {  	s4 =	sld [smem:$0x3FAC]  }
0x2a: {  	p0 =	seq.s32 s5, $0x0;
	s5 =	sld [smem:$0x3FAD]  }
0x2b: {  	s6 =	sld [smem:$0x3FAE]  }
0x2c: {  	s7 =	sld [smem:$0x3FAF]  }
0x2d: {  	s3 =	simm.s32 $0x108;
	s8 =	sld [smem:$0x3FB0]  }
0x2e: {  	s3 =	simm.s32 @!p0 $0x1082;
	s9 =	sld [smem:$0x3FB1]  }
0x2f: {  	lr =	sadd.s32 s0, s3;
	s0 =	sld [smem:$0x3FA8]  }
0x30: {  	s3 =	sld [smem:$0x3FAB]  }
0x31: {  	[smem:$0x3FB4] =	sst s10  }
0x32: {  	s10 =	sld [smem:$0x3FB2];
	_ =	sdelay $0x3  }
0x33: {  	p0 =	seq.s32 s10, $0x1;
	s10 =	sld [smem:$0x3FB4];
	_ =	sdelay $0x3  }
0x34: {  	[smem:$0x3FB4] =	sst s10  }
0x35: {  	s10 =	sld [smem:$0x3FB3];
	_ =	sdelay $0x3  }
0x36: {  	p1 =	seq.s32 s10, $0x1;
	s10 =	sld [smem:$0x3FB4];
	_ =	sdelay $0x3  }
0x37: {  	[smem:$0x3FB4] =	sst s10  }
0x38: {  	s10 =	sld [smem:$0x3FB5]  }
0x39: {  	_ = 	snop;
	(pc) =	sbr.ind lr, $3  }
0x3a: {  	_ = 	snop  }
0x3b: {  	_ = 	snop  }
0x3c: {  	p2 =	seq.s32 s10, $0x1;
	s10 =	sld [smem:$0x3FB4]  }
0x3d: {  	_ =	shalt  }
0x3e: {  	_ =	shalt  }
0x3f: {  	_ =	shalt  }
0x40: {  	_ =	shalt  }
0x41: {  	_ =	shalt  }
0x42: {  	_ =	shalt  }
0x43: {  	_ =	shalt  }
0x44: {  	_ =	shalt  }
0x45: {  	_ =	shalt  }
0x46: {  	_ =	shalt  }
0x47: {  	_ =	shalt  }
0x48: {  	_ =	shalt  }
0x49: {  	_ =	shalt  }
0x4a: {  	_ =	shalt  }
0x4b: {  	_ =	shalt  }
0x4c: {  	_ =	shalt  }
0x4d: {  	_ =	shalt  }
0x4e: {  	_ =	shalt  }
0x4f: {  	_ =	shalt  }
0x50: {  	_ =	shalt  }
0x51: {  	_ =	shalt  }
0x52: {  	_ =	shalt  }
0x53: {  	_ =	shalt  }
0x54: {  	_ =	shalt  }
0x55: {  	_ =	shalt  }
0x56: {  	_ =	shalt  }
0x57: {  	_ =	shalt  }
0x58: {  	_ =	shalt  }
0x59: {  	_ =	shalt  }
0x5a: {  	_ =	shalt  }
0x5b: {  	_ =	shalt  }
0x5c: {  	_ =	shalt  }
0x5d: {  	_ =	shalt  }
0x5e: {  	_ =	shalt  }
0x5f: {  	_ =	shalt  }
0x60: {  	_ =	shalt  }
0x61: {  	_ =	shalt  }
0x62: {  	_ =	shalt  }
0x63: {  	_ =	shalt  }
0x64: {  	_ =	shalt  }
0x65: {  	_ =	shalt  }
0x66: {  	_ =	shalt  }
0x67: {  	_ =	shalt  }
0x68: {  	_ =	shalt  }
0x69: {  	_ =	shalt  }
0x6a: {  	_ =	shalt  }
0x6b: {  	_ =	shalt  }
0x6c: {  	_ =	shalt  }
0x6d: {  	_ =	shalt  }
0x6e: {  	_ =	shalt  }
0x6f: {  	_ =	shalt  }
0x70: {  	_ =	shalt  }
0x71: {  	_ =	shalt  }
0x72: {  	_ =	shalt  }
0x73: {  	_ =	shalt  }
0x74: {  	_ =	shalt  }
0x75: {  	_ =	shalt  }
0x76: {  	_ =	shalt  }
0x77: {  	_ =	shalt  }
0x78: {  	_ =	shalt  }
0x79: {  	_ =	shalt  }
0x7a: {  	_ =	shalt  }
0x7b: {  	_ =	shalt  }
0x7c: {  	_ =	shalt  }
0x7d: {  	_ =	shalt  }
0x7e: {  	_ =	shalt  }
0x7f: {  	_ =	shalt  }
0x80: {  	_ =	shalt  }
0x81: {  	_ =	shalt  }
0x82: {  	_ =	shalt  }
0x83: {  	_ =	shalt  }
0x84: {  	_ =	shalt  }
0x85: {  	_ =	shalt  }
0x86: {  	_ =	shalt  }
0x87: {  	_ =	shalt  }
.Lfunc_end0:
.L_simem_size_0:
called_computation_lowered:
.L_overlay_start_0:
0x88: {  	s2 =	sld [smem:$0x3FD9]  }
0x89: {  	s3 =	sld [smem:$0x3FFE];
	_ =	sdelay $0x1  }
0x8a: {  	s1 =	srdreg.scid  }
0x8b: {  	s0 =	sand.u32 $0x1, s1  }
0x8c: {  	s17 =	sshll.u32 s0, $0xA;
	s2 =	sadd.s32 s3, s2  }
0x8d: {  	s2 =	sadd.s32 s2, s17  }
0x8e: {  	[smem:$0x3FC0] =	sst s2  }
0x8f: {  	_ = 	snop  }
0x90: {  	s2 =	sld [smem:$0x3FC9]  }
0x91: {  	s18 =	sld [smem:$0x3FC8]  }
0x92: {  	s4 =	sld [smem:$0x3FC7]  }
0x93: {  	s5 =	sld [smem:$0x3FD0];
	(tm) =	ssettm $0x1  }
0x94: {  	s6 =	sld [smem:$0x3FFB];
	_ =	sdelay $0x3  }
0x95: {  	_ =	strace s6  }
0x96: {  	s6 =	sld [smem:$0x3FFC];
	_ =	sdelay $0x3  }
0x97: {  	_ =	strace s6  }
0x98: {  	s6 =	sld [smem:$0x3FFD];
	_ =	sdelay $0x3  }
0x99: {  	_ =	strace s6  }
0x9a: {  	_ =	strace $0x8FFFFFFF  }
0x9b: {  	s19 =	sld [smem:$0x3FDB];
	_ =	sdelay $0x1  }
0x9c: {  	s7 =	simm.s32 $_scs_section_size  }
0x9d: {  	s8 =	simm.s32 $_size__tile_overlayer_lowered;
	s9 =	simm.s32 $_tile_overlayer_lowered  }
0x9e: {  	s22 =	simm.s32 $0x1BFF;
	s21 =	sshll.u32 s9, $0x1;
	s6 =	sadd.s32 s7, s19  }
0x9f: {  	s10 =	simm.s32 $0x0;
	s20 =	sshll.u32 s8, $0x1;
	s8 =	sadd.s32 s21, s6  }
0xa0: {  	[timem:s10], [sflag:s22] =	dma.local [hbm:s8], s20  }
0xa1: {  	_ =	swait.ge [sflag:s22], s20  }
0xa2: {  	s7 =	ssub.s32 $0x0, s20;
	[sflag:s22] =	ssyncset.done $0x0  }
0xa3: {  	[sflag:s22] =	ssyncadd.s32 s7;
	_ =	sdelay $0x1  }
0xa4: {  	s23 =	simm.s32 $0x1B8B  }
0xa5: {  	_ =	swait.ge [sflag:s23], $0x1  }
0xa6: {  	[sflag:s23] =	ssyncset.done $0x0  }
0xa7: {  	s25 =	simm.s32 $0x1B8E;
	s24 =	sld [smem:$0x3FFE];
	[sflag:s23] =	ssyncadd.s32 $0xFFFFFFFF  }
0xa8: {  	s26 =	simm.s32 $execute0_lowered;
	[smem:$0x3FD2] =	sst s25  }
0xa9: {  	s8 =	sshll.u32 s26, $0x1;
	_ =	strace $0x80000046;
	[dreg:$0x1] =	wrdreg $0xFFFFFFFF  }
0xaa: {  	s28 =	simm.s32 $_size_execute0_lowered;
	s6 =	sadd.s32 s6, s8;
	[dreg:$0x0] =	wrdreg $0x0  }
0xab: {  	s8 =	sshll.u32 s28, $0x1;
	[dreg:$0x2] =	wrdreg s6  }
0xac: {  	[dreg:$0x3] =	wrdreg s8  }
0xad: {  	[dreg:$0x4] =	wrdreg $0xC0  }
0xae: {  	_ =	task [dreg:s10], $0x5FFFF  }
0xaf: {  	[dreg:$0x1] =	wrdreg $0xFFFFFFFF  }
0xb0: {  	[dreg:$0x0] =	wrdreg $0x60  }
0xb1: {  	[dreg:$0x2] =	wrdreg s18  }
0xb2: {  	[dreg:$0x3] =	wrdreg s4  }
0xb3: {  	[dreg:$0x4] =	wrdreg s2  }
0xb4: {  	[dreg:$0x5] =	wrdreg s5  }
0xb5: {  	[dreg:$0x6] =	wrdreg s24  }
0xb6: {  	[dreg:$0x7] =	wrdreg $0x9  }
0xb7: {  	_ =	task.clear_ibuf [dreg:s10], $0x8FFFF;
	_ =	strace $0x90000046  }
0xb8: {  	s29 =	simm.s32 $0x9;
	_ =	strace $0x80000048  }
0xb9: {  	_ =	swait.ge [sflag:s29], $0x1  }
0xba: {  	[sflag:s29] =	ssyncadd.s32 $0xFFFFFFFF  }
0xbb: {  	_ =	strace $0x90000048  }
0xbc: {  	_ =	sfence  }
0xbd: {  	s30 =	sld [smem:$0x0];
	_ =	sdelay $0x2  }
0xbe: {  	s31 =	sshll.u32 s1, $0xD;
	s1 =	sshrl.u32 s1, $0x2  }
0xbf: {  	s3 =	sand.u32 $0x4000, s31;
	s1 =	sadd.s32 s1, s30  }
0xc0: {  	s0 =	sor.u32 s3, s0;
	s1 =	sshll.u32 s1, $0x11  }
0xc1: {  	s0 =	sor.u32 s1, s0  }
0xc2: {  	s0 =	sadd.s32 $0x8F2B, s0  }
0xc3: {  	[sflag:s0] =	ssyncadd.remote.s32 $0x1  }
0xc4: {  	_ =	sfence.sel $0xFFFF  }
0xc5: {  	[dreg:$0x0] =	wrdreg $0xFFFFFFFF;
	(pc) =	sbr.abs _section_cstart, $3  }
0xc6: {  	[dreg:$0x1] =	wrdreg $0xFFFFFFFF  }
0xc7: {  	_ =	task.clear_ibuf [dreg:s10], $0x2FFFF;
	_ =	strace $0x9FFFFFFF  }
0xc8: {  	(tm) =	ssettm $0x7FFFFFFF  }
0xc9: {  	_ =	shalt  }
tec
execute0_lowered:
.L_overlay_start_1:
0x0: {  	(tag) =	ssettag $0x1  }
0x1: {  	s0 =	rddreg [dreg:$0x0]  }
0x2: {  	s2 =	rddreg [dreg:$0x1]  }
0x3: {  	s3 =	rddreg [dreg:$0x2]  }
0x4: {  	s4 =	srdreg.scid;
	s5 =	rddreg [dreg:$0x3]  }
0x5: {  	s1 =	stileid.u32;
	s7 =	rddreg [dreg:$0x4]  }
0x6: {  	s17 =	simm.s32 $0x880;
	s18 =	simm.s32 $0x1080;
	s19 =	simm.s32 $0x1880  }
0x7: {  	s20 =	simm.s32 $0x2080;
	s6 =	sand.u32 $0x1, s4;
	s4 =	simm.s32 $0x0  }
0x8: {  	s21 =	simm.s32 $0x2880;
	s23 =	simm.s32 $0x3080;
	[smem:$0x7FF] =	sst s4  }
0x9: {  	s24 =	simm.s32 $0x3880;
	_ =	strace $0x80000047;
	[dreg:$0x9] =	wrdreg s17  }
0xa: {  	s25 =	simm.s32 $0x4080;
	s26 =	simm.s32 $0x4880;
	[dreg:$0xa] =	wrdreg s18  }
0xb: {  	s10 =	simm.s32 $0x6080;
	s11 =	simm.s32 $0x6880;
	[dreg:$0xb] =	wrdreg s19  }
0xc: {  	s12 =	simm.s32 $0x7080;
	s13 =	simm.s32 $0x7880;
	[dreg:$0xc] =	wrdreg s20  }
0xd: {  	s14 =	simm.s32 $0x8080;
	s28 =	simm.s32 $0xE880;
	[dreg:$0xd] =	wrdreg s21  }
0xe: {  	s29 =	simm.s32 $0xF080;
	s30 =	simm.s32 $0xF880;
	[dreg:$0xe] =	wrdreg s23  }
0xf: {  	s31 =	simm.s32 $0x1;
	s8 =	sshll.u32 s1, $0x8;
	[dreg:$0xf] =	wrdreg s24  }
0x10: {  	s9 =	sshll.u32 s6, $0x7;
	s22 =	ssub.s32 $0x2, s6;
	[dreg:$0x10] =	wrdreg s25  }
0x11: {  	s8 =	sor.u32 s9, s8;
	s6 =	sshrl.u32 s22, $0x1;
	[dreg:$0x11] =	wrdreg s26  }
0x12: {  	s17 =	simm.s32 $0x9880;
	s18 =	simm.s32 $0xA080;
	s19 =	simm.s32 $0xA880  }
0x13: {  	s20 =	simm.s32 $0xB080;
	s21 =	simm.s32 $0xB880;
	s23 =	simm.s32 $0xC880  }
0x14: {  	s24 =	simm.s32 $0xD080;
	s25 =	simm.s32 $0xD880;
	s9 =	sshrl.u32 s8, $0x3  }
0x15: {  	s26 =	simm.s32 $0xE080;
	s8 =	sshll.u32 s8, $0x5;
	s3 =	sadd.s32 s3, s9  }
0x16: {  	s7 =	sadd.s32 s8, s7;
	s15 =	sadd.s32 s5, s8;
	s5 =	ssub.s32 s22, s6  }
0x17: {  	s6 =	simm.s32 $0x3;
	s9 =	simm.s32 $0x5880;
	[dreg:$0x6] =	wrdreg s3  }
0x18: {  	v2 =	vlaneseq.u32;
	s22 =	simm.s32 $0xC080;
	[dreg:$0x7] =	wrdreg s15;
	s16 =	sadd.s32 $0x1A00, s7  }
0x19: {  	vm0 =	vmmov $0xffff;
	v1 =	vshrl.u32 v2, $0x3;
	s5 =	smax.u32 s5, $0x1;
	s7 =	simm.s32 $0x80;
	s15 =	simm.s32 $0x8880  }
0x1a: {  	v0 =	vand.u32 $0x7, v2;
	v2 =	vor.u32 $0x8, v2;
	v1 =	vmul.u32 $0x8, v1;
	s3 =	simm.s32 $0x2;
	[dreg:$0x8] =	wrdreg s16;
	s16 =	simm.s32 $0x9080  }
.LBB2_1:
0x1b: {  	s1 =	rddreg [dreg:$0x6]  }
0x1c: {  	[tilespmem:s4], [sflag:$0x3] =	stream.linear.gather [hbm4b:s1+s4], $0x80, $0x38;
	[tilespmem:$0x10080] =	vst v63  }
0x1d: {  	_ =	swait.ge [sflag:s6], $0x80  }
0x1e: {  	[sflag:s6] =	ssyncset.done $0x0  }
0x1f: {  	[sflag:s6] =	ssyncadd.s32 $0xFFFFFF80  }
0x20: {  	v3 =	vld [tilespmem:$0x0];
	_ =	sdelay $0x4  }
0x21: {  	v4 =	vshll.u32 v3, $0x1  }
0x22: {  	v3 =	vand.u32 $0x7, v3;
	v4 =	vand.u32 $0xFFFFFFF0, v4  }
0x23: {  	v3 =	vor.u32 v3, v4  }
0x24: {  	v4 =	vperm.xlane v3, v0;
	_ =	sdelay $0x1  }
0x25: {  	v3 =	vperm.xlane v3, v2;
	v4 =	vadd.s32 v1, v4;
	_ =	sdelay $0x1  }
0x26: {  	v3 =	vadd.s32 v1, v3;
	_ =	sdelay $0x2  }
0x27: {  	[tilespmem:s7], [sflag:$0x1] =	stream.indirect_vreg.gather [hbm4b:s0+s4], $0x80, v4, vm0, $0xb8;
	[tilespmem:$0x10080] =	vst v63  }
0x28: {  	s8 =	rddreg [dreg:$0x9]  }
0x29: {  	[tilespmem:s8], [sflag:$0x1] =	stream.indirect_vreg.gather [hbm4b:s0+s4], $0x80, v3, vm0, $0xb8;
	[tilespmem:$0x10080] =	vst v63  }
0x2a: {  	v3 =	vld [tilespmem:$0x10];
	_ =	sdelay $0x4  }
0x2b: {  	v49 =	vshll.u32 v3, $0x1  }
0x2c: {  	v3 =	vand.u32 $0x7, v3;
	v4 =	vand.u32 $0xFFFFFFF0, v49  }
0x2d: {  	v3 =	vor.u32 v3, v4  }
0x2e: {  	v4 =	vperm.xlane v3, v0;
	_ =	sdelay $0x1  }
0x2f: {  	v3 =	vperm.xlane v3, v2;
	v4 =	vadd.s32 v1, v4;
	_ =	sdelay $0x1  }
0x30: {  	v3 =	vadd.s32 v1, v3;
	_ =	sdelay $0x1  }
0x31: {  	s1 =	rddreg [dreg:$0xa]  }
0x32: {  	[tilespmem:s1], [sflag:$0x1] =	stream.indirect_vreg.gather [hbm4b:s0+s4], $0x80, v4, vm0, $0xb8;
	[tilespmem:$0x10080] =	vst v63  }
0x33: {  	s8 =	rddreg [dreg:$0xb]  }
0x34: {  	[tilespmem:s8], [sflag:$0x1] =	stream.indirect_vreg.gather [hbm4b:s0+s4], $0x80, v3, vm0, $0xb8;
	[tilespmem:$0x10080] =	vst v63  }
0x35: {  	v3 =	vld [tilespmem:$0x20];
	_ =	sdelay $0x4  }
0x36: {  	v50 =	vshll.u32 v3, $0x1  }
0x37: {  	v3 =	vand.u32 $0x7, v3;
	v4 =	vand.u32 $0xFFFFFFF0, v50  }
0x38: {  	v3 =	vor.u32 v3, v4  }
0x39: {  	v4 =	vperm.xlane v3, v0;
	_ =	sdelay $0x1  }
0x3a: {  	v3 =	vperm.xlane v3, v2;
	v4 =	vadd.s32 v1, v4;
	_ =	sdelay $0x1  }
0x3b: {  	v3 =	vadd.s32 v1, v3;
	_ =	sdelay $0x1  }
0x3c: {  	s1 =	rddreg [dreg:$0xc]  }
0x3d: {  	[tilespmem:s1], [sflag:$0x1] =	stream.indirect_vreg.gather [hbm4b:s0+s4], $0x80, v4, vm0, $0xb8;
	[tilespmem:$0x10080] =	vst v63  }
0x3e: {  	s8 =	rddreg [dreg:$0xd]  }
0x3f: {  	[tilespmem:s8], [sflag:$0x1] =	stream.indirect_vreg.gather [hbm4b:s0+s4], $0x80, v3, vm0, $0xb8;
	[tilespmem:$0x10080] =	vst v63  }
0x40: {  	v3 =	vld [tilespmem:$0x30];
	_ =	sdelay $0x4  }
0x41: {  	v51 =	vshll.u32 v3, $0x1  }
0x42: {  	v3 =	vand.u32 $0x7, v3;
	v4 =	vand.u32 $0xFFFFFFF0, v51  }
0x43: {  	v3 =	vor.u32 v3, v4  }
0x44: {  	v4 =	vperm.xlane v3, v0;
	_ =	sdelay $0x1  }
0x45: {  	v3 =	vperm.xlane v3, v2;
	v4 =	vadd.s32 v1, v4;
	_ =	sdelay $0x1  }
0x46: {  	v3 =	vadd.s32 v1, v3;
	_ =	sdelay $0x1  }
0x47: {  	s1 =	rddreg [dreg:$0xe]  }
0x48: {  	[tilespmem:s1], [sflag:$0x1] =	stream.indirect_vreg.gather [hbm4b:s0+s4], $0x80, v4, vm0, $0xb8;
	[tilespmem:$0x10080] =	vst v63  }
0x49: {  	s8 =	rddreg [dreg:$0xf]  }
0x4a: {  	[tilespmem:s8], [sflag:$0x1] =	stream.indirect_vreg.gather [hbm4b:s0+s4], $0x80, v3, vm0, $0xb8;
	[tilespmem:$0x10080] =	vst v63  }
0x4b: {  	v3 =	vld [tilespmem:$0x40];
	_ =	sdelay $0x4  }
0x4c: {  	v52 =	vshll.u32 v3, $0x1  }
0x4d: {  	v3 =	vand.u32 $0x7, v3;
	v4 =	vand.u32 $0xFFFFFFF0, v52  }
0x4e: {  	v3 =	vor.u32 v3, v4  }
0x4f: {  	v4 =	vperm.xlane v3, v0;
	_ =	sdelay $0x1  }
0x50: {  	v3 =	vperm.xlane v3, v2;
	v4 =	vadd.s32 v1, v4;
	_ =	sdelay $0x1  }
0x51: {  	v3 =	vadd.s32 v1, v3;
	_ =	sdelay $0x1  }
0x52: {  	s1 =	rddreg [dreg:$0x10]  }
0x53: {  	[tilespmem:s1], [sflag:$0x1] =	stream.indirect_vreg.gather [hbm4b:s0+s4], $0x80, v4, vm0, $0xb8;
	[tilespmem:$0x10080] =	vst v63  }
0x54: {  	s8 =	rddreg [dreg:$0x11]  }
0x55: {  	[tilespmem:s8], [sflag:$0x1] =	stream.indirect_vreg.gather [hbm4b:s0+s4], $0x80, v3, vm0, $0xb8;
	[tilespmem:$0x10080] =	vst v63  }
0x56: {  	v3 =	vld [tilespmem:$0x50];
	_ =	sdelay $0x4  }
0x57: {  	v53 =	vshll.u32 v3, $0x1  }
0x58: {  	v3 =	vand.u32 $0x7, v3;
	v4 =	vand.u32 $0xFFFFFFF0, v53  }
0x59: {  	v3 =	vor.u32 v3, v4  }
0x5a: {  	v4 =	vperm.xlane v3, v0;
	_ =	sdelay $0x1  }
0x5b: {  	v3 =	vperm.xlane v3, v2;
	v4 =	vadd.s32 v1, v4;
	_ =	sdelay $0x1  }
0x5c: {  	v3 =	vadd.s32 v1, v3;
	_ =	sdelay $0x1  }
0x5d: {  	s8 =	simm.s32 $0x5080  }
0x5e: {  	[tilespmem:s8], [sflag:$0x1] =	stream.indirect_vreg.gather [hbm4b:s0+s4], $0x80, v4, vm0, $0xb8;
	[tilespmem:$0x10080] =	vst v63  }
0x5f: {  	_ = 	snop  }
0x60: {  	[tilespmem:s9], [sflag:$0x1] =	stream.indirect_vreg.gather [hbm4b:s0+s4], $0x80, v3, vm0, $0xb8;
	[tilespmem:$0x10080] =	vst v63  }
0x61: {  	v3 =	vld [tilespmem:$0x60];
	_ =	sdelay $0x4  }
0x62: {  	v54 =	vshll.u32 v3, $0x1  }
0x63: {  	v3 =	vand.u32 $0x7, v3;
	v4 =	vand.u32 $0xFFFFFFF0, v54  }
0x64: {  	v3 =	vor.u32 v3, v4  }
0x65: {  	v4 =	vperm.xlane v3, v0;
	_ =	sdelay $0x1  }
0x66: {  	v3 =	vperm.xlane v3, v2;
	v4 =	vadd.s32 v1, v4;
	_ =	sdelay $0x1  }
0x67: {  	v3 =	vadd.s32 v1, v3;
	_ =	sdelay $0x2  }
0x68: {  	[tilespmem:s10], [sflag:$0x1] =	stream.indirect_vreg.gather [hbm4b:s0+s4], $0x80, v4, vm0, $0xb8;
	[tilespmem:$0x10080] =	vst v63  }
0x69: {  	_ = 	snop  }
0x6a: {  	[tilespmem:s11], [sflag:$0x1] =	stream.indirect_vreg.gather [hbm4b:s0+s4], $0x80, v3, vm0, $0xb8;
	[tilespmem:$0x10080] =	vst v63  }
0x6b: {  	v3 =	vld [tilespmem:$0x70];
	_ =	sdelay $0x4  }
0x6c: {  	v55 =	vshll.u32 v3, $0x1  }
0x6d: {  	v3 =	vand.u32 $0x7, v3;
	v4 =	vand.u32 $0xFFFFFFF0, v55  }
0x6e: {  	v3 =	vor.u32 v3, v4  }
0x6f: {  	v4 =	vperm.xlane v3, v0;
	_ =	sdelay $0x1  }
0x70: {  	v3 =	vperm.xlane v3, v2;
	v4 =	vadd.s32 v1, v4;
	_ =	sdelay $0x1  }
0x71: {  	v3 =	vadd.s32 v1, v3;
	_ =	sdelay $0x2  }
0x72: {  	[tilespmem:s12], [sflag:$0x1] =	stream.indirect_vreg.gather [hbm4b:s0+s4], $0x80, v4, vm0, $0xb8;
	[tilespmem:$0x10080] =	vst v63  }
0x73: {  	_ = 	snop  }
0x74: {  	[tilespmem:s13], [sflag:$0x1] =	stream.indirect_vreg.gather [hbm4b:s0+s4], $0x80, v3, vm0, $0xb8;
	[tilespmem:$0x10080] =	vst v63  }
0x75: {  	v3 =	vld [tilespmem:$0x0];
	_ =	sdelay $0x4  }
0x76: {  	v56 =	vshll.u32 v3, $0x1  }
0x77: {  	v3 =	vand.u32 $0x7, v3;
	v4 =	vand.u32 $0xFFFFFFF0, v56  }
0x78: {  	v3 =	vor.u32 v3, v4  }
0x79: {  	v4 =	vperm.xlane v3, v0;
	_ =	sdelay $0x1  }
0x7a: {  	v3 =	vperm.xlane v3, v2;
	v4 =	vadd.s32 v1, v4;
	_ =	sdelay $0x1  }
0x7b: {  	v3 =	vadd.s32 v1, v3;
	_ =	sdelay $0x2  }
0x7c: {  	[tilespmem:s14], [sflag:$0x2] =	stream.indirect_vreg.gather [hbm4b:s2+s4], $0x80, v4, vm0, $0xb8;
	[tilespmem:$0x10080] =	vst v63  }
0x7d: {  	_ = 	snop  }
0x7e: {  	[tilespmem:s15], [sflag:$0x2] =	stream.indirect_vreg.gather [hbm4b:s2+s4], $0x80, v3, vm0, $0xb8;
	[tilespmem:$0x10080] =	vst v63  }
0x7f: {  	v3 =	vld [tilespmem:$0x10];
	_ =	sdelay $0x4  }
0x80: {  	v57 =	vshll.u32 v3, $0x1  }
0x81: {  	v3 =	vand.u32 $0x7, v3;
	v4 =	vand.u32 $0xFFFFFFF0, v57  }
0x82: {  	v3 =	vor.u32 v3, v4  }
0x83: {  	v4 =	vperm.xlane v3, v0;
	_ =	sdelay $0x1  }
0x84: {  	v3 =	vperm.xlane v3, v2;
	v4 =	vadd.s32 v1, v4;
	_ =	sdelay $0x1  }
0x85: {  	v3 =	vadd.s32 v1, v3;
	_ =	sdelay $0x2  }
0x86: {  	[tilespmem:s16], [sflag:$0x2] =	stream.indirect_vreg.gather [hbm4b:s2+s4], $0x80, v4, vm0, $0xb8;
	[tilespmem:$0x10080] =	vst v63  }
0x87: {  	_ = 	snop  }
0x88: {  	[tilespmem:s17], [sflag:$0x2] =	stream.indirect_vreg.gather [hbm4b:s2+s4], $0x80, v3, vm0, $0xb8;
	[tilespmem:$0x10080] =	vst v63  }
0x89: {  	v3 =	vld [tilespmem:$0x20];
	_ =	sdelay $0x4  }
0x8a: {  	v58 =	vshll.u32 v3, $0x1  }
0x8b: {  	v3 =	vand.u32 $0x7, v3;
	v4 =	vand.u32 $0xFFFFFFF0, v58  }
0x8c: {  	v3 =	vor.u32 v3, v4  }
0x8d: {  	v4 =	vperm.xlane v3, v0;
	_ =	sdelay $0x1  }
0x8e: {  	v3 =	vperm.xlane v3, v2;
	v4 =	vadd.s32 v1, v4;
	_ =	sdelay $0x1  }
0x8f: {  	v3 =	vadd.s32 v1, v3;
	_ =	sdelay $0x2  }
0x90: {  	[tilespmem:s18], [sflag:$0x2] =	stream.indirect_vreg.gather [hbm4b:s2+s4], $0x80, v4, vm0, $0xb8;
	[tilespmem:$0x10080] =	vst v63  }
0x91: {  	_ = 	snop  }
0x92: {  	[tilespmem:s19], [sflag:$0x2] =	stream.indirect_vreg.gather [hbm4b:s2+s4], $0x80, v3, vm0, $0xb8;
	[tilespmem:$0x10080] =	vst v63  }
0x93: {  	v3 =	vld [tilespmem:$0x30];
	_ =	sdelay $0x4  }
0x94: {  	v59 =	vshll.u32 v3, $0x1  }
0x95: {  	v3 =	vand.u32 $0x7, v3;
	v4 =	vand.u32 $0xFFFFFFF0, v59  }
0x96: {  	v3 =	vor.u32 v3, v4  }
0x97: {  	v4 =	vperm.xlane v3, v0;
	_ =	sdelay $0x1  }
0x98: {  	v3 =	vperm.xlane v3, v2;
	v4 =	vadd.s32 v1, v4;
	_ =	sdelay $0x1  }
0x99: {  	v3 =	vadd.s32 v1, v3;
	_ =	sdelay $0x2  }
0x9a: {  	[tilespmem:s20], [sflag:$0x2] =	stream.indirect_vreg.gather [hbm4b:s2+s4], $0x80, v4, vm0, $0xb8;
	[tilespmem:$0x10080] =	vst v63  }
0x9b: {  	_ = 	snop  }
0x9c: {  	[tilespmem:s21], [sflag:$0x2] =	stream.indirect_vreg.gather [hbm4b:s2+s4], $0x80, v3, vm0, $0xb8;
	[tilespmem:$0x10080] =	vst v63  }
0x9d: {  	v3 =	vld [tilespmem:$0x40];
	_ =	sdelay $0x4  }
0x9e: {  	v60 =	vshll.u32 v3, $0x1  }
0x9f: {  	v3 =	vand.u32 $0x7, v3;
	v4 =	vand.u32 $0xFFFFFFF0, v60  }
0xa0: {  	v3 =	vor.u32 v3, v4  }
0xa1: {  	v4 =	vperm.xlane v3, v0;
	_ =	sdelay $0x1  }
0xa2: {  	v3 =	vperm.xlane v3, v2;
	v4 =	vadd.s32 v1, v4;
	_ =	sdelay $0x1  }
0xa3: {  	v3 =	vadd.s32 v1, v3;
	_ =	sdelay $0x2  }
0xa4: {  	[tilespmem:s22], [sflag:$0x2] =	stream.indirect_vreg.gather [hbm4b:s2+s4], $0x80, v4, vm0, $0xb8;
	[tilespmem:$0x10080] =	vst v63  }
0xa5: {  	_ = 	snop  }
0xa6: {  	[tilespmem:s23], [sflag:$0x2] =	stream.indirect_vreg.gather [hbm4b:s2+s4], $0x80, v3, vm0, $0xb8;
	[tilespmem:$0x10080] =	vst v63  }
0xa7: {  	v3 =	vld [tilespmem:$0x50];
	_ =	sdelay $0x4  }
0xa8: {  	v61 =	vshll.u32 v3, $0x1  }
0xa9: {  	v3 =	vand.u32 $0x7, v3;
	v4 =	vand.u32 $0xFFFFFFF0, v61  }
0xaa: {  	v3 =	vor.u32 v3, v4  }
0xab: {  	v4 =	vperm.xlane v3, v0;
	_ =	sdelay $0x1  }
0xac: {  	v3 =	vperm.xlane v3, v2;
	v4 =	vadd.s32 v1, v4;
	_ =	sdelay $0x1  }
0xad: {  	v3 =	vadd.s32 v1, v3;
	_ =	sdelay $0x2  }
0xae: {  	[tilespmem:s24], [sflag:$0x2] =	stream.indirect_vreg.gather [hbm4b:s2+s4], $0x80, v4, vm0, $0xb8;
	[tilespmem:$0x10080] =	vst v63  }
0xaf: {  	_ = 	snop  }
0xb0: {  	[tilespmem:s25], [sflag:$0x2] =	stream.indirect_vreg.gather [hbm4b:s2+s4], $0x80, v3, vm0, $0xb8;
	[tilespmem:$0x10080] =	vst v63  }
0xb1: {  	v3 =	vld [tilespmem:$0x60];
	_ =	sdelay $0x4  }
0xb2: {  	v62 =	vshll.u32 v3, $0x1  }
0xb3: {  	v3 =	vand.u32 $0x7, v3;
	v4 =	vand.u32 $0xFFFFFFF0, v62  }
0xb4: {  	v3 =	vor.u32 v3, v4  }
0xb5: {  	v4 =	vperm.xlane v3, v0;
	_ =	sdelay $0x1  }
0xb6: {  	v3 =	vperm.xlane v3, v2;
	v4 =	vadd.s32 v1, v4;
	_ =	sdelay $0x1  }
0xb7: {  	v3 =	vadd.s32 v1, v3;
	_ =	sdelay $0x2  }
0xb8: {  	[tilespmem:s26], [sflag:$0x2] =	stream.indirect_vreg.gather [hbm4b:s2+s4], $0x80, v4, vm0, $0xb8;
	[tilespmem:$0x10080] =	vst v63  }
0xb9: {  	_ = 	snop  }
0xba: {  	[tilespmem:s28], [sflag:$0x2] =	stream.indirect_vreg.gather [hbm4b:s2+s4], $0x80, v3, vm0, $0xb8;
	[tilespmem:$0x10080] =	vst v63  }
0xbb: {  	v3 =	vld [tilespmem:$0x70];
	_ =	sdelay $0x4  }
0xbc: {  	v63 =	vshll.u32 v3, $0x1  }
0xbd: {  	v3 =	vand.u32 $0x7, v3;
	v4 =	vand.u32 $0xFFFFFFF0, v63  }
0xbe: {  	v3 =	vor.u32 v3, v4  }
0xbf: {  	v4 =	vperm.xlane v3, v0;
	_ =	sdelay $0x1  }
0xc0: {  	v3 =	vperm.xlane v3, v2;
	v4 =	vadd.s32 v1, v4;
	_ =	sdelay $0x1  }
0xc1: {  	v3 =	vadd.s32 v1, v3;
	_ =	sdelay $0x2  }
0xc2: {  	[tilespmem:s29], [sflag:$0x2] =	stream.indirect_vreg.gather [hbm4b:s2+s4], $0x80, v4, vm0, $0xb8;
	[tilespmem:$0x10080] =	vst v63  }
0xc3: {  	_ = 	snop  }
0xc4: {  	[tilespmem:s30], [sflag:$0x2] =	stream.indirect_vreg.gather [hbm4b:s2+s4], $0x80, v3, vm0, $0xb8;
	[tilespmem:$0x10080] =	vst v63  }
0xc5: {  	_ =	swait.ge [sflag:s31], $0x8000  }
0xc6: {  	[sflag:s31] =	ssyncset.done $0x0  }
0xc7: {  	[sflag:s31] =	ssyncadd.s32 $0xFFFF8000  }
0xc8: {  	_ =	swait.ge [sflag:s3], $0x8000  }
0xc9: {  	[sflag:s3] =	ssyncset.done $0x0  }
0xca: {  	s8 =	rddreg [dreg:$0x7];
	[sflag:s3] =	ssyncadd.s32 $0xFFFF8000  }
0xcb: {  	[hbm4b:s8+s4] =	stream.linear.scatter [tilespmem:s7], [sflag:$0x3], $0x8000, $0x38;
	[tilespmem:$0x10080] =	vst v63  }
0xcc: {  	_ =	swait.ge [sflag:s6], $0x8000  }
0xcd: {  	p0 =	sne.s32 s5, $0x1;
	[sflag:s6] =	ssyncset.done $0x0  }
.Ltmp0:
0xce: {  	s8 =	rddreg [dreg:$0x8];
	[sflag:s6] =	ssyncadd.s32 $0xFFFF8000;
	(pc) =	sbr.rel @p0 .LBB2_1-.Ltmp0, $4  }
0xcf: {  	[hbm4b:s8+s4] =	stream.linear.scatter [tilespmem:s14], [sflag:$0x3], $0x8000, $0x38;
	[tilespmem:$0x10080] =	vst v63  }
0xd0: {  	_ =	swait.ge [sflag:s6], $0x8000  }
0xd1: {  	[sflag:s6] =	ssyncset.done $0x0  }
0xd2: {  	s5 =	sadd.s32 $0xFFFFFFFF, s5;
	[sflag:s6] =	ssyncadd.s32 $0xFFFF8000  }
0xd3: {  	_ =	sfence.sel $0x180000  }
0xd4: {  	[bflag:$0x0] =	sbarrier.arrive $0xFFFF  }
0xd5: {  	_ =	strace $0x90000047  }
0xd6: {  	s0 =	stileid.u32;
	[bflag:$0x2] =	sbarrier.arrive $0xFFFF  }
0xd7: {  	p0 =	sne.s32 s0, $0x0;
	s0 =	rddreg [dreg:$0x5]  }
0xd8: {  	s0 =	sadd.s32 @!p0 $0x100000, s0  }
0xd9: {  	[sflag:s0] =	ssyncadd.tile.s32 @!p0 $0x1;
	_ =	shalt  }
.Lfunc_end2:
_tile_overlayer_lowered:
.L_overlay_start_2:
0xda: {  	(tag) =	ssettag $0x2  }
0xdb: {  	s0 =	rddreg [dreg:$0x0];
	s2 =	stileid.u32  }
0xdc: {  	s1 =	rddreg [dreg:$0x1];
	p0 =	sne.s32 s2, $0x0  }
0xdd: {  	s3 =	rddreg [dreg:$0x2];
	[bflag:$0x3] =	sbarrier.arrive $0xFFFF;
	s2 =	simm.s32 @!p0 $0x1C03  }
0xde: {  	[timem:s3], [sflag:s2] =	dma.local @!p0 [hbm:s0], s1  }
0xdf: {  	s0 =	simm.s32 @!p0 $0x3  }
0xe0: {  	_ =	swait.ge @!p0 [sflag:s0], s1  }
0xe1: {  	s1 =	ssub.s32 @!p0 $0x0, s1;
	[sflag:s0] =	ssyncset.done @!p0 $0x0  }
0xe2: {  	[sflag:s0] =	ssyncadd.s32 @!p0 s1  }
0xe3: {  	[bflag:$0x3] =	sbarrier.arrive $0xFFFF  }
0xe4: {  	_ =	shalt  }

</sc_bundles>
